<compile_context>
chip_gen: v7x
topology: tpu7x:2x2x1
jax: 0.10.2.dev20260603
libtpu: 0.0.44.dev20260713+nightly
codegen_flags: <defaults>
</compile_context>

<pallas_src>
import functools

import jax
import jax.numpy as jnp
from jax import lax
from jax.experimental import pallas as pl
from jax.experimental.pallas import tpu as pltpu
from jax.experimental.pallas import tpu_sc as plsc

IMS = 8
N = 32
C = 151
R = 101
RP = 128
CP = 152
CH = CP // 2


def _sc_gather_kernel(table_hbm, idx_hbm, out_hbm, idx_v, rows_v, sem):
    info = plsc.get_sparse_core_info()
    nc = info.num_cores
    wid = lax.axis_index("s") * nc + lax.axis_index("c")
    img = wid // 4
    for h in range(2):
        pltpu.sync_copy(idx_hbm.at[2 * wid + h], idx_v)
        pltpu.async_copy(table_hbm.at[idx_v], rows_v, sem).wait()
        pltpu.sync_copy(
            rows_v, out_hbm.at[img, pl.ds((wid % 4) * 8 + h * 4, 4)]
        )


def _sc_gather(table, idx2):
    kern = functools.partial(
        pl.kernel,
        mesh=plsc.VectorSubcoreMesh(core_axis_name="c", subcore_axis_name="s"),
        out_type=jax.ShapeDtypeStruct((IMS, N, CH, RP), jnp.int32),
        scratch_types=[
            pltpu.VMEM((4,), jnp.int32),
            pltpu.VMEM((4, CH, RP), jnp.int32),
            pltpu.SemaphoreType.DMA,
        ],
    )(_sc_gather_kernel)
    return kern(table, idx2)


def _pack_body(rm_ref, tab_ref):
    val = rm_ref[...]
    val = jnp.concatenate(
        [val, jnp.zeros((C, C, RP - R), jnp.float32)], axis=-1
    )
    val = jnp.concatenate(
        [val, jnp.zeros((C, CP - C, RP), jnp.float32)], axis=1
    )
    bf = val.astype(jnp.bfloat16)
    tab_ref[...] = pltpu.bitcast(bf, jnp.int32)


def _pack_table(relmat):
    return pl.pallas_call(
        _pack_body,
        out_shape=jax.ShapeDtypeStruct((C, CH, RP), jnp.int32),
    )(relmat)


def _tc_body(g_ref, lrs_ref, lab_ref, out_ref):
    i = pl.program_id(0)

    lrs = lrs_ref[0]
    lsw = jnp.concatenate(
        [lrs[..., 0:1], lrs[..., 51:101], lrs[..., 1:51]], axis=-1
    )
    lswt = jnp.swapaxes(lsw, 0, 1)
    pmat = lrs + lswt
    ix = lax.broadcasted_iota(jnp.int32, (N, N, R), 0)
    iy = lax.broadcasted_iota(jnp.int32, (N, N, R), 1)
    pmat = jnp.where(ix == iy, 0.0, pmat)
    pmat = jnp.concatenate(
        [pmat, jnp.zeros((N, N, RP - R), jnp.float32)], axis=-1
    )

    acc = jnp.zeros((N, CP), dtype=jnp.float32)
    for x in range(N):
        gi = g_ref[0, x]
        gb = pltpu.bitcast(gi, jnp.bfloat16)
        acc = acc + lax.dot_general(
            pmat[x],
            gb.astype(jnp.float32),
            (((1,), (1,)), ((), ())),
            preferred_element_type=jnp.float32,
        )
    acc = acc[:, :C] * 0.5

    m = jnp.max(acc, axis=1, keepdims=True)
    z = acc - m
    lse = jnp.log(jnp.sum(jnp.exp(z), axis=1, keepdims=True))
    ls = z - lse

    lab_col = lab_ref[0]
    iota_c = lax.broadcasted_iota(jnp.int32, (N, C), 1)
    pick = jnp.sum(jnp.where(iota_c == lab_col, ls, 0.0))

    @pl.when(i == 0)
    def _():
        out_ref[...] = jnp.zeros((1, 1), jnp.float32)

    out_ref[...] = out_ref[...] + (-pick) / float(IMS * N)


def kernel(rois, roi_labels, roi_scores, rel_scores, relationship_mat):
    del rois, roi_scores
    lab = roi_labels.astype(jnp.int32)

    table = _pack_table(relationship_mat)
    g4 = _sc_gather(table, lab.reshape(IMS * N // 4, 4))

    lrs4 = rel_scores.reshape(IMS, N, N, R)
    lab3 = lab.reshape(IMS, N, 1)

    out = pl.pallas_call(
        _tc_body,
        grid=(IMS,),
        in_specs=[
            pl.BlockSpec((1, N, CH, RP), lambda i: (i, 0, 0, 0)),
            pl.BlockSpec((1, N, N, R), lambda i: (i, 0, 0, 0)),
            pl.BlockSpec((1, N, 1), lambda i: (i, 0, 0)),
        ],
        out_specs=pl.BlockSpec((1, 1), lambda i: (0, 0)),
        out_shape=jax.ShapeDtypeStruct((1, 1), jnp.float32),
        compiler_params=pltpu.CompilerParams(
            dimension_semantics=("arbitrary",)
        ),
    )(g4, lrs4, lab3)
    return out[0, 0]

# --- scband reference (transcript-rebuilt; emitter-appended) ---
"""Pipeline reference for scband-rel-infer-train-27144193310750 (READ-ONLY COPY).

The authoritative reference and input builder live on the scoring server;
editing this copy changes nothing except your own understanding.
"""

import jax, jax.numpy as jnp
import numpy as np

# cfg constants baked in:
# cfg.TRAIN.IMS_PER_BATCH=8, cfg.MODEL.NUM_CLASSES=151, cfg.MODEL.NUM_RELATIONS=51
# cfg.REL_INFER.CONSIDER_REVERSE_REL=True, cfg.REL_INFER.TRAIN=True, cfg.REL_INFER.MODE=1,
# cfg.REL_INFER.NONE_BGREL_WEIGHT=1.0
IMS_PER_BATCH = 8
N_PER_IM = 32
NUM_CLASSES = 151
NUM_RELATIONS = 51
REL_CH = 2 * NUM_RELATIONS - 1  # 101 with reverse relations
NONE_BGREL_WEIGHT = 1.0


def setup_inputs(seed: int = 0) -> dict:
    key = jax.random.key(seed)
    k1, k2, k3, k4, k5 = jax.random.split(key, 5)
    N = IMS_PER_BATCH * N_PER_IM
    img_ids = jnp.repeat(jnp.arange(IMS_PER_BATCH, dtype=jnp.float32), N_PER_IM)
    boxes = jax.random.uniform(k1, (N, 4), dtype=jnp.float32) * 512.0
    rois = jnp.concatenate([img_ids[:, None], boxes], axis=1)
    # labels in [1, NUM_CLASSES) so the roi_labels > 0 filter keeps everything
    roi_labels = jax.random.randint(k2, (N,), 1, NUM_CLASSES)
    roi_scores = jax.random.normal(k3, (N, NUM_CLASSES), dtype=jnp.float32)
    rel_scores = jax.random.normal(k4, (IMS_PER_BATCH * N_PER_IM * N_PER_IM, REL_CH), dtype=jnp.float32)
    # relationship_mat buffer built in init_rel_mat(): sparse 0/1 co-occurrence tensor,
    # concat with its subject/object transpose (reverse relations), channel 0 forced to 1
    base = (jax.random.uniform(k5, (NUM_CLASSES, NUM_CLASSES, NUM_RELATIONS)) < 0.05).astype(jnp.float32)
    relmat = jnp.concatenate([base, jnp.transpose(base, (1, 0, 2))[..., 1:]], axis=2)
    relmat = relmat.at[:, :, 0].set(1.0)
    return {"rois": rois, "roi_labels": roi_labels, "roi_scores": roi_scores,
            "rel_scores": rel_scores, "relationship_mat": relmat}


def reference(rois, roi_labels, roi_scores, rel_scores, relationship_mat):
    # filter background rois (labels > 0)
    N = roi_labels.shape[0]
    keep_j = jnp.nonzero(roi_labels > 0, size=N, fill_value=0)[0]
    roi_scores = roi_scores[keep_j]
    roi_labels = roi_labels[keep_j]
    n_per_im = rois.shape[0] // IMS_PER_BATCH
    proposal_num = [n_per_im for i in range(IMS_PER_BATCH)]
    roi_scores = jax.nn.log_softmax(roi_scores, axis=1)
    assert sum(n * n for n in proposal_num) == rel_scores.shape[0]
    losses = []
    head_rois = 0
    head_out = 0
    for i in range(IMS_PER_BATCH):
        n = proposal_num[i]
        if n == 0:
            continue
        lab = roi_labels[head_rois:head_rois + n]
        lrs = rel_scores[head_out:head_out + n * n].reshape(n, n, REL_CH)
        # binary_theta: gather rows of relationship_mat by subject labels
        bt = jnp.take(relationship_mat, lab, axis=0)          # [n, C, R]
        bt = bt[:, None, :, :] * lrs[:, :, None, :]           # [n, n, C, R] (broadcast == repeat)
        bt = bt[..., 0] + NONE_BGREL_WEIGHT * bt[..., 1:].sum(-1)  # MODE != 3 -> sum
        # t_binary_theta: gather columns by object labels
        tb = jnp.transpose(jnp.take(relationship_mat, lab, axis=1), (1, 0, 2))  # [n, C, R]
        tb = tb[:, None, :, :] * jnp.transpose(lrs, (1, 0, 2))[:, :, None, :]
        tb = tb[..., 0] + NONE_BGREL_WEIGHT * tb[..., 1:].sum(-1)
        bt = (bt + tb) / 2.0
        diag = 1.0 - jnp.eye(n, dtype=bt.dtype)
        bt = (bt * diag[:, :, None]).sum(0)                   # [n, C]
        # TRAIN=True, MODE=1 -> no exp/log branch
        ls = jax.nn.log_softmax(bt, axis=1)
        losses.append(-jnp.take_along_axis(ls, lab[:, None], axis=1)[:, 0])
        head_out += n * n
        head_rois += n
    if len(losses) > 0:
        return jnp.concatenate(losses, 0).mean()
    return jnp.zeros((), dtype=roi_scores.dtype)


if False:  # reference __main__ guard neutralized (emitter)
    out = reference(**setup_inputs())
    print(out)

if __name__ == "__main__":
    import jax
    _d = setup_inputs()
    print(jax.jit(kernel)(*tuple(_d.values())))

</pallas_src>

<mosaic_0001>
#map = affine_map<(d0, d1) -> (0, 0, 0)>
#map1 = affine_map<(d0, d1) -> (0, 0)>
#map2 = affine_map<(d0, d1) -> (0, 0, 0, 0)>
module attributes {stable_mosaic.version = 14 : i64} {
  func.func @_sc_gather_kernel(%arg0: i32, %arg1: i32, %arg2: memref<151x76x128xi32, #tpu.memory_space<hbm>>, %arg3: memref<64x4xi32, #tpu.memory_space<hbm>>, %arg4: memref<8x32x76x128xi32, #tpu.memory_space<hbm>>, %arg5: memref<4xi32, #tpu.memory_space<vmem>>, %arg6: memref<4x76x128xi32, #tpu.memory_space<vmem>>, %arg7: memref<!tpu.dma_semaphore, #tpu.memory_space<semaphore_mem>>) attributes {dimension_semantics = [#tpu.dimension_semantics<core_parallel>, #tpu.dimension_semantics<subcore_parallel>], iteration_bounds = array<i64: 2, 16>, scalar_prefetch = 0 : i64, scratch_operands = 3 : i64, tpu.core_type = #tpu.core_type<sc_vector_subcore>, window_params = [{transform_indices = #map}, {transform_indices = #map1}, {transform_indices = #map2}]} {
    %mul3A = arith.constant 2 : i32
    %mul3A_0 = arith.muli %arg1, %mul3A : i32
    %add3A = arith.addi %mul3A_0, %arg0 : i32
    %jit3A = arith.constant 4 : i32
    %div3A = arith.divsi %add3A, %jit3A : i32
    %sign3A = arith.constant 0 : i32
    %sign3A_1 = arith.cmpi sgt, %add3A, %sign3A : i32
    %sign3A_2 = arith.extui %sign3A_1 : i1 to i32
    %sign3A_3 = arith.constant 0 : i32
    %sign3A_4 = arith.cmpi slt, %add3A, %sign3A_3 : i32
    %sign3A_5 = arith.extui %sign3A_4 : i1 to i32
    %sign3A_6 = arith.subi %sign3A_2, %sign3A_5 : i32
    %sign3A_7 = arith.constant 0 : i32
    %sign3A_8 = arith.cmpi sgt, %jit3A, %sign3A_7 : i32
    %sign3A_9 = arith.extui %sign3A_8 : i1 to i32
    %sign3A_10 = arith.constant 0 : i32
    %sign3A_11 = arith.cmpi slt, %jit3A, %sign3A_10 : i32
    %sign3A_12 = arith.extui %sign3A_11 : i1 to i32
    %sign3A_13 = arith.subi %sign3A_9, %sign3A_12 : i32
    %ne3A = arith.cmpi ne, %sign3A_6, %sign3A_13 : i32
    %rem3A = arith.remsi %add3A, %jit3A : i32
    %ne3A_14 = arith.constant 0 : i32
    %ne3A_15 = arith.cmpi ne, %rem3A, %ne3A_14 : i32
    %and3A = arith.andi %ne3A, %ne3A_15 : i1
    %sub3A = arith.constant 1 : i32
    %sub3A_16 = arith.subi %div3A, %sub3A : i32
    %select_n3A = arith.select %and3A, %sub3A_16, %div3A : i32
    %mul3A_17 = arith.constant 2 : i32
    %mul3A_18 = arith.muli %mul3A_17, %add3A : i32
    %add3A_19 = arith.constant 0 : i32
    %add3A_20 = arith.addi %mul3A_18, %add3A_19 : i32
    "tpu.region"() ({
      %run_scoped3A = tpu.sem_alloc : memref<!tpu.dma_semaphore, #tpu.memory_space<semaphore_mem>>
      %dma_start3A_77 = arith.constant 0 : i32
      %dma_start3A_78 = tpu.memref_slice %arg3[%add3A_20, %dma_start3A_77] : memref<64x4xi32, #tpu.memory_space<hbm>> -> memref<1x4xi32, #tpu.memory_space<hbm>>
      %dma_start3A_79 = tpu.memref_squeeze %dma_start3A_78 : memref<1x4xi32, #tpu.memory_space<hbm>> -> memref<4xi32, #tpu.memory_space<hbm>>
      %dma_start3A_80 = arith.constant 0 : i32
      %dma_start3A_81 = tpu.memref_slice %arg3[%add3A_20, %dma_start3A_80] : memref<64x4xi32, #tpu.memory_space<hbm>> -> memref<1x4xi32, #tpu.memory_space<hbm>>
      %dma_start3A_82 = tpu.memref_squeeze %dma_start3A_81 : memref<1x4xi32, #tpu.memory_space<hbm>> -> memref<4xi32, #tpu.memory_space<hbm>>
      tpu.enqueue_dma source(%dma_start3A_82 : memref<4xi32, #tpu.memory_space<hbm>>) target(%arg5 : memref<4xi32, #tpu.memory_space<vmem>>) target_semaphore(%run_scoped3A : memref<!tpu.dma_semaphore, #tpu.memory_space<semaphore_mem>>)
      %dma_wait3A_83 = arith.constant 0 : i32
      %dma_wait3A_84 = tpu.memref_slice %arg3[%add3A_20, %dma_wait3A_83] : memref<64x4xi32, #tpu.memory_space<hbm>> -> memref<1x4xi32, #tpu.memory_space<hbm>>
      %dma_wait3A_85 = tpu.memref_squeeze %dma_wait3A_84 : memref<1x4xi32, #tpu.memory_space<hbm>> -> memref<4xi32, #tpu.memory_space<hbm>>
      %dma_wait3A_86 = arith.constant 0 : i32
      %dma_wait3A_87 = tpu.memref_slice %arg3[%add3A_20, %dma_wait3A_86] : memref<64x4xi32, #tpu.memory_space<hbm>> -> memref<1x4xi32, #tpu.memory_space<hbm>>
      %dma_wait3A_88 = tpu.memref_squeeze %dma_wait3A_87 : memref<1x4xi32, #tpu.memory_space<hbm>> -> memref<4xi32, #tpu.memory_space<hbm>>
      tpu.wait_dma2 semaphore(%run_scoped3A : memref<!tpu.dma_semaphore, #tpu.memory_space<semaphore_mem>>) src(%dma_wait3A_88 : memref<4xi32, #tpu.memory_space<hbm>>) dst(%arg5 : memref<4xi32, #tpu.memory_space<vmem>>)
      tpu.yield
    }) : () -> ()
    %dma_start3A = arith.constant 0 : i32
    %dma_start3A_21 = arith.constant 0 : i32
    %dma_start3A_22 = arith.constant 0 : i32
    %dma_start3A_23 = tpu.memref_slice %arg2[%dma_start3A, %dma_start3A_21, %dma_start3A_22] : memref<151x76x128xi32, #tpu.memory_space<hbm>> -> memref<151x76x128xi32, #tpu.memory_space<hbm>>
    tpu.enqueue_indirect_dma source(%dma_start3A_23 : memref<151x76x128xi32, #tpu.memory_space<hbm>>) target(%arg6 : memref<4x76x128xi32, #tpu.memory_space<vmem>>) offsets(%arg5 : memref<4xi32, #tpu.memory_space<vmem>>) semaphore(%arg7 : memref<!tpu.dma_semaphore, #tpu.memory_space<semaphore_mem>>)
    %dma_wait3A = arith.constant 0 : i32
    %dma_wait3A_24 = arith.constant 0 : i32
    %dma_wait3A_25 = arith.constant 0 : i32
    %dma_wait3A_26 = tpu.memref_slice %arg2[%dma_wait3A, %dma_wait3A_24, %dma_wait3A_25] : memref<151x76x128xi32, #tpu.memory_space<hbm>> -> memref<151x76x128xi32, #tpu.memory_space<hbm>>
    tpu.wait_indirect_dma semaphore(%arg7 : memref<!tpu.dma_semaphore, #tpu.memory_space<semaphore_mem>>) src(%dma_wait3A_26 : memref<151x76x128xi32, #tpu.memory_space<hbm>>) dst(%arg6 : memref<4x76x128xi32, #tpu.memory_space<vmem>>)
    %jit3A_27 = arith.constant 4 : i32
    %eq3A = arith.constant 0 : i32
    %eq3A_28 = arith.cmpi eq, %jit3A_27, %eq3A : i32
    %jit3A_29 = arith.constant 1 : i32
    %select_n3A_30 = arith.select %eq3A_28, %jit3A_29, %jit3A_27 : i32
    %rem3A_31 = arith.remsi %add3A, %select_n3A_30 : i32
    %ne3A_32 = arith.constant 0 : i32
    %ne3A_33 = arith.cmpi ne, %rem3A_31, %ne3A_32 : i32
    %lt3A = arith.constant 0 : i32
    %lt3A_34 = arith.cmpi slt, %rem3A_31, %lt3A : i32
    %lt3A_35 = arith.constant 0 : i32
    %lt3A_36 = arith.cmpi slt, %select_n3A_30, %lt3A_35 : i32
    %ne3A_37 = arith.xori %lt3A_34, %lt3A_36 : i1
    %and3A_38 = arith.andi %ne3A_37, %ne3A_33 : i1
    %add3A_39 = arith.addi %rem3A_31, %select_n3A_30 : i32
    %select_n3A_40 = arith.select %and3A_38, %add3A_39, %rem3A_31 : i32
    %mul3A_41 = arith.constant 8 : i32
    %mul3A_42 = arith.muli %select_n3A_40, %mul3A_41 : i32
    %add3A_43 = arith.constant 0 : i32
    %add3A_44 = arith.addi %mul3A_42, %add3A_43 : i32
    "tpu.region"() ({
      %run_scoped3A = tpu.sem_alloc : memref<!tpu.dma_semaphore, #tpu.memory_space<semaphore_mem>>
      %dma_start3A_77 = arith.constant 0 : i32
      %dma_start3A_78 = arith.constant 0 : i32
      %dma_start3A_79 = tpu.memref_slice %arg4[%select_n3A, %add3A_44, %dma_start3A_77, %dma_start3A_78] : memref<8x32x76x128xi32, #tpu.memory_space<hbm>> -> memref<1x4x76x128xi32, #tpu.memory_space<hbm>>
      %dma_start3A_80 = tpu.memref_squeeze %dma_start3A_79 : memref<1x4x76x128xi32, #tpu.memory_space<hbm>> -> memref<4x76x128xi32, #tpu.memory_space<hbm>>
      %dma_start3A_81 = arith.constant 0 : i32
      %dma_start3A_82 = arith.constant 0 : i32
      %dma_start3A_83 = tpu.memref_slice %arg4[%select_n3A, %add3A_44, %dma_start3A_81, %dma_start3A_82] : memref<8x32x76x128xi32, #tpu.memory_space<hbm>> -> memref<1x4x76x128xi32, #tpu.memory_space<hbm>>
      %dma_start3A_84 = tpu.memref_squeeze %dma_start3A_83 : memref<1x4x76x128xi32, #tpu.memory_space<hbm>> -> memref<4x76x128xi32, #tpu.memory_space<hbm>>
      tpu.enqueue_dma source(%arg6 : memref<4x76x128xi32, #tpu.memory_space<vmem>>) target(%dma_start3A_84 : memref<4x76x128xi32, #tpu.memory_space<hbm>>) target_semaphore(%run_scoped3A : memref<!tpu.dma_semaphore, #tpu.memory_space<semaphore_mem>>)
      %dma_wait3A_85 = arith.constant 0 : i32
      %dma_wait3A_86 = arith.constant 0 : i32
      %dma_wait3A_87 = tpu.memref_slice %arg4[%select_n3A, %add3A_44, %dma_wait3A_85, %dma_wait3A_86] : memref<8x32x76x128xi32, #tpu.memory_space<hbm>> -> memref<1x4x76x128xi32, #tpu.memory_space<hbm>>
      %dma_wait3A_88 = tpu.memref_squeeze %dma_wait3A_87 : memref<1x4x76x128xi32, #tpu.memory_space<hbm>> -> memref<4x76x128xi32, #tpu.memory_space<hbm>>
      %dma_wait3A_89 = arith.constant 0 : i32
      %dma_wait3A_90 = arith.constant 0 : i32
      %dma_wait3A_91 = tpu.memref_slice %arg4[%select_n3A, %add3A_44, %dma_wait3A_89, %dma_wait3A_90] : memref<8x32x76x128xi32, #tpu.memory_space<hbm>> -> memref<1x4x76x128xi32, #tpu.memory_space<hbm>>
      %dma_wait3A_92 = tpu.memref_squeeze %dma_wait3A_91 : memref<1x4x76x128xi32, #tpu.memory_space<hbm>> -> memref<4x76x128xi32, #tpu.memory_space<hbm>>
      tpu.wait_dma2 semaphore(%run_scoped3A : memref<!tpu.dma_semaphore, #tpu.memory_space<semaphore_mem>>) src(%arg6 : memref<4x76x128xi32, #tpu.memory_space<vmem>>) dst(%dma_wait3A_92 : memref<4x76x128xi32, #tpu.memory_space<hbm>>)
      tpu.yield
    }) : () -> ()
    %mul3A_45 = arith.constant 2 : i32
    %mul3A_46 = arith.muli %mul3A_45, %add3A : i32
    %add3A_47 = arith.constant 1 : i32
    %add3A_48 = arith.addi %mul3A_46, %add3A_47 : i32
    "tpu.region"() ({
      %run_scoped3A = tpu.sem_alloc : memref<!tpu.dma_semaphore, #tpu.memory_space<semaphore_mem>>
      %dma_start3A_77 = arith.constant 0 : i32
      %dma_start3A_78 = tpu.memref_slice %arg3[%add3A_48, %dma_start3A_77] : memref<64x4xi32, #tpu.memory_space<hbm>> -> memref<1x4xi32, #tpu.memory_space<hbm>>
      %dma_start3A_79 = tpu.memref_squeeze %dma_start3A_78 : memref<1x4xi32, #tpu.memory_space<hbm>> -> memref<4xi32, #tpu.memory_space<hbm>>
      %dma_start3A_80 = arith.constant 0 : i32
      %dma_start3A_81 = tpu.memref_slice %arg3[%add3A_48, %dma_start3A_80] : memref<64x4xi32, #tpu.memory_space<hbm>> -> memref<1x4xi32, #tpu.memory_space<hbm>>
      %dma_start3A_82 = tpu.memref_squeeze %dma_start3A_81 : memref<1x4xi32, #tpu.memory_space<hbm>> -> memref<4xi32, #tpu.memory_space<hbm>>
      tpu.enqueue_dma source(%dma_start3A_82 : memref<4xi32, #tpu.memory_space<hbm>>) target(%arg5 : memref<4xi32, #tpu.memory_space<vmem>>) target_semaphore(%run_scoped3A : memref<!tpu.dma_semaphore, #tpu.memory_space<semaphore_mem>>)
      %dma_wait3A_83 = arith.constant 0 : i32
      %dma_wait3A_84 = tpu.memref_slice %arg3[%add3A_48, %dma_wait3A_83] : memref<64x4xi32, #tpu.memory_space<hbm>> -> memref<1x4xi32, #tpu.memory_space<hbm>>
      %dma_wait3A_85 = tpu.memref_squeeze %dma_wait3A_84 : memref<1x4xi32, #tpu.memory_space<hbm>> -> memref<4xi32, #tpu.memory_space<hbm>>
      %dma_wait3A_86 = arith.constant 0 : i32
      %dma_wait3A_87 = tpu.memref_slice %arg3[%add3A_48, %dma_wait3A_86] : memref<64x4xi32, #tpu.memory_space<hbm>> -> memref<1x4xi32, #tpu.memory_space<hbm>>
      %dma_wait3A_88 = tpu.memref_squeeze %dma_wait3A_87 : memref<1x4xi32, #tpu.memory_space<hbm>> -> memref<4xi32, #tpu.memory_space<hbm>>
      tpu.wait_dma2 semaphore(%run_scoped3A : memref<!tpu.dma_semaphore, #tpu.memory_space<semaphore_mem>>) src(%dma_wait3A_88 : memref<4xi32, #tpu.memory_space<hbm>>) dst(%arg5 : memref<4xi32, #tpu.memory_space<vmem>>)
      tpu.yield
    }) : () -> ()
    %dma_start3A_49 = arith.constant 0 : i32
    %dma_start3A_50 = arith.constant 0 : i32
    %dma_start3A_51 = arith.constant 0 : i32
    %dma_start3A_52 = tpu.memref_slice %arg2[%dma_start3A_49, %dma_start3A_50, %dma_start3A_51] : memref<151x76x128xi32, #tpu.memory_space<hbm>> -> memref<151x76x128xi32, #tpu.memory_space<hbm>>
    tpu.enqueue_indirect_dma source(%dma_start3A_52 : memref<151x76x128xi32, #tpu.memory_space<hbm>>) target(%arg6 : memref<4x76x128xi32, #tpu.memory_space<vmem>>) offsets(%arg5 : memref<4xi32, #tpu.memory_space<vmem>>) semaphore(%arg7 : memref<!tpu.dma_semaphore, #tpu.memory_space<semaphore_mem>>)
    %dma_wait3A_53 = arith.constant 0 : i32
    %dma_wait3A_54 = arith.constant 0 : i32
    %dma_wait3A_55 = arith.constant 0 : i32
    %dma_wait3A_56 = tpu.memref_slice %arg2[%dma_wait3A_53, %dma_wait3A_54, %dma_wait3A_55] : memref<151x76x128xi32, #tpu.memory_space<hbm>> -> memref<151x76x128xi32, #tpu.memory_space<hbm>>
    tpu.wait_indirect_dma semaphore(%arg7 : memref<!tpu.dma_semaphore, #tpu.memory_space<semaphore_mem>>) src(%dma_wait3A_56 : memref<151x76x128xi32, #tpu.memory_space<hbm>>) dst(%arg6 : memref<4x76x128xi32, #tpu.memory_space<vmem>>)
    %jit3A_57 = arith.constant 4 : i32
    %eq3A_58 = arith.constant 0 : i32
    %eq3A_59 = arith.cmpi eq, %jit3A_57, %eq3A_58 : i32
    %jit3A_60 = arith.constant 1 : i32
    %select_n3A_61 = arith.select %eq3A_59, %jit3A_60, %jit3A_57 : i32
    %rem3A_62 = arith.remsi %add3A, %select_n3A_61 : i32
    %ne3A_63 = arith.constant 0 : i32
    %ne3A_64 = arith.cmpi ne, %rem3A_62, %ne3A_63 : i32
    %lt3A_65 = arith.constant 0 : i32
    %lt3A_66 = arith.cmpi slt, %rem3A_62, %lt3A_65 : i32
    %lt3A_67 = arith.constant 0 : i32
    %lt3A_68 = arith.cmpi slt, %select_n3A_61, %lt3A_67 : i32
    %ne3A_69 = arith.xori %lt3A_66, %lt3A_68 : i1
    %and3A_70 = arith.andi %ne3A_69, %ne3A_64 : i1
    %add3A_71 = arith.addi %rem3A_62, %select_n3A_61 : i32
    %select_n3A_72 = arith.select %and3A_70, %add3A_71, %rem3A_62 : i32
    %mul3A_73 = arith.constant 8 : i32
    %mul3A_74 = arith.muli %select_n3A_72, %mul3A_73 : i32
    %add3A_75 = arith.constant 4 : i32
    %add3A_76 = arith.addi %mul3A_74, %add3A_75 : i32
    "tpu.region"() ({
      %run_scoped3A = tpu.sem_alloc : memref<!tpu.dma_semaphore, #tpu.memory_space<semaphore_mem>>
      %dma_start3A_77 = arith.constant 0 : i32
      %dma_start3A_78 = arith.constant 0 : i32
      %dma_start3A_79 = tpu.memref_slice %arg4[%select_n3A, %add3A_76, %dma_start3A_77, %dma_start3A_78] : memref<8x32x76x128xi32, #tpu.memory_space<hbm>> -> memref<1x4x76x128xi32, #tpu.memory_space<hbm>>
      %dma_start3A_80 = tpu.memref_squeeze %dma_start3A_79 : memref<1x4x76x128xi32, #tpu.memory_space<hbm>> -> memref<4x76x128xi32, #tpu.memory_space<hbm>>
      %dma_start3A_81 = arith.constant 0 : i32
      %dma_start3A_82 = arith.constant 0 : i32
      %dma_start3A_83 = tpu.memref_slice %arg4[%select_n3A, %add3A_76, %dma_start3A_81, %dma_start3A_82] : memref<8x32x76x128xi32, #tpu.memory_space<hbm>> -> memref<1x4x76x128xi32, #tpu.memory_space<hbm>>
      %dma_start3A_84 = tpu.memref_squeeze %dma_start3A_83 : memref<1x4x76x128xi32, #tpu.memory_space<hbm>> -> memref<4x76x128xi32, #tpu.memory_space<hbm>>
      tpu.enqueue_dma source(%arg6 : memref<4x76x128xi32, #tpu.memory_space<vmem>>) target(%dma_start3A_84 : memref<4x76x128xi32, #tpu.memory_space<hbm>>) target_semaphore(%run_scoped3A : memref<!tpu.dma_semaphore, #tpu.memory_space<semaphore_mem>>)
      %dma_wait3A_85 = arith.constant 0 : i32
      %dma_wait3A_86 = arith.constant 0 : i32
      %dma_wait3A_87 = tpu.memref_slice %arg4[%select_n3A, %add3A_76, %dma_wait3A_85, %dma_wait3A_86] : memref<8x32x76x128xi32, #tpu.memory_space<hbm>> -> memref<1x4x76x128xi32, #tpu.memory_space<hbm>>
      %dma_wait3A_88 = tpu.memref_squeeze %dma_wait3A_87 : memref<1x4x76x128xi32, #tpu.memory_space<hbm>> -> memref<4x76x128xi32, #tpu.memory_space<hbm>>
      %dma_wait3A_89 = arith.constant 0 : i32
      %dma_wait3A_90 = arith.constant 0 : i32
      %dma_wait3A_91 = tpu.memref_slice %arg4[%select_n3A, %add3A_76, %dma_wait3A_89, %dma_wait3A_90] : memref<8x32x76x128xi32, #tpu.memory_space<hbm>> -> memref<1x4x76x128xi32, #tpu.memory_space<hbm>>
      %dma_wait3A_92 = tpu.memref_squeeze %dma_wait3A_91 : memref<1x4x76x128xi32, #tpu.memory_space<hbm>> -> memref<4x76x128xi32, #tpu.memory_space<hbm>>
      tpu.wait_dma2 semaphore(%run_scoped3A : memref<!tpu.dma_semaphore, #tpu.memory_space<semaphore_mem>>) src(%arg6 : memref<4x76x128xi32, #tpu.memory_space<vmem>>) dst(%dma_wait3A_92 : memref<4x76x128xi32, #tpu.memory_space<hbm>>)
      tpu.yield
    }) : () -> ()
    return
  }
}

module attributes {stable_mosaic.version = 14 : i64} {
  func.func @_pack_body(%arg0: memref<151x151x101xf32, #tpu.memory_space<vmem>>, %arg1: memref<151x76x128xi32, #tpu.memory_space<vmem>>) attributes {dimension_semantics = [], scalar_prefetch = 0 : i64, scratch_operands = 0 : i64, tpu.core_type = #tpu.core_type<tc>} {
    %get3A = arith.constant 0 : index
    %get3A_0 = arith.constant 0 : index
    %get3A_1 = arith.constant 0 : index
    %get3A_2 = vector.load %arg0[%get3A, %get3A_0, %get3A_1] : memref<151x151x101xf32, #tpu.memory_space<vmem>>, vector<151x151x101xf32>
    %broadcast_in_dim3A = arith.constant 0.000000e+00 : f32
    %broadcast_in_dim3A_3 = vector.broadcast %broadcast_in_dim3A : f32 to vector<151x151x27xf32>
    %concatenate3A = tpu.concatenate %get3A_2, %broadcast_in_dim3A_3 in 2 : vector<151x151x101xf32>, vector<151x151x27xf32> -> vector<151x151x128xf32>
    %broadcast_in_dim3A_4 = arith.constant 0.000000e+00 : f32
    %broadcast_in_dim3A_5 = vector.broadcast %broadcast_in_dim3A_4 : f32 to vector<151x1x128xf32>
    %concatenate3A_6 = tpu.concatenate %concatenate3A, %broadcast_in_dim3A_5 in 1 : vector<151x151x128xf32>, vector<151x1x128xf32> -> vector<151x152x128xf32>
    %convert_element_type3A = arith.truncf %concatenate3A_6 : vector<151x152x128xf32> to vector<151x152x128xbf16>
    %bitcast3A = tpu.bitcast %convert_element_type3A : vector<151x152x128xbf16> -> vector<151x76x128xi32>
    %swap3A = arith.constant 0 : index
    %swap3A_7 = arith.constant 0 : index
    %swap3A_8 = arith.constant 0 : index
    %swap3A_9 = vector.load %arg1[%swap3A, %swap3A_7, %swap3A_8] : memref<151x76x128xi32, #tpu.memory_space<vmem>>, vector<151x76x128xi32>
    tpu.vector_store %arg1[%swap3A, %swap3A_7, %swap3A_8], %bitcast3A {strides = array<i32>} : memref<151x76x128xi32, #tpu.memory_space<vmem>>, vector<151x76x128xi32>,
    return
  }
}

module attributes {stable_mosaic.version = 14 : i64} {
  func.func @_tc_body(%arg0: i32, %arg1: memref<1x32x76x128xi32, #tpu.memory_space<vmem>>, %arg2: memref<1x32x32x101xf32, #tpu.memory_space<vmem>>, %arg3: memref<1x32x1xi32, #tpu.memory_space<vmem>>, %arg4: memref<1x1xf32, #tpu.memory_space<vmem>>) attributes {dimension_semantics = [#tpu.dimension_semantics<arbitrary>], iteration_bounds = array<i64: 8>, scalar_prefetch = 0 : i64, scratch_operands = 0 : i64, tpu.core_type = #tpu.core_type<tc>, window_params = [{transform_indices = @transform_0, window_bounds = array<i64: 1, 32, 76, 128>}, {transform_indices = @transform_1, window_bounds = array<i64: 1, 32, 32, 101>}, {transform_indices = @transform_2, window_bounds = array<i64: 1, 32, 1>}, {pipeline_mode = #tpu.pipeline_mode<synchronous>, transform_indices = @transform_3, window_bounds = array<i64: 1, 1>}]} {
    %get3A = arith.constant 0 : index
    %get3A_0 = arith.constant 0 : index
    %get3A_1 = arith.constant 0 : index
    %get3A_2 = arith.constant 0 : index
    %get3A_3 = vector.load %arg2[%get3A, %get3A_0, %get3A_1, %get3A_2] : memref<1x32x32x101xf32, #tpu.memory_space<vmem>>, vector<1x32x32x101xf32>
    %get3A_4 = vector.shape_cast %get3A_3 : vector<1x32x32x101xf32> to vector<32x32x101xf32>
    %slice3A = vector.extract_strided_slice %get3A_4 {offsets = [0, 0, 0], sizes = [32, 32, 1], strides = [1, 1, 1]} : vector<32x32x101xf32> to vector<32x32x1xf32>
    %slice3A_5 = vector.extract_strided_slice %get3A_4 {offsets = [0, 0, 51], sizes = [32, 32, 50], strides = [1, 1, 1]} : vector<32x32x101xf32> to vector<32x32x50xf32>
    %slice3A_6 = vector.extract_strided_slice %get3A_4 {offsets = [0, 0, 1], sizes = [32, 32, 50], strides = [1, 1, 1]} : vector<32x32x101xf32> to vector<32x32x50xf32>
    %concatenate3A = tpu.concatenate %slice3A, %slice3A_5, %slice3A_6 in 2 : vector<32x32x1xf32>, vector<32x32x50xf32>, vector<32x32x50xf32> -> vector<32x32x101xf32>
    %transpose3A = tpu.transpose %concatenate3A, [1, 0, 2] : vector<32x32x101xf32> -> vector<32x32x101xf32>
    %add3A = arith.addf %get3A_4, %transpose3A : vector<32x32x101xf32>
    %iota3A = tpu.iota {dimensions = array<i32: 0>} : vector<32x32x101xi32>
    %iota3A_7 = tpu.iota {dimensions = array<i32: 1>} : vector<32x32x101xi32>
    %eq3A = arith.cmpi eq, %iota3A, %iota3A_7 : vector<32x32x101xi32>
    %jit3A = arith.constant 0.000000e+00 : f32
    %broadcast_in_dim3A = vector.broadcast %jit3A : f32 to vector<32x32x101xf32>
    %select_n3A = arith.select %eq3A, %broadcast_in_dim3A, %add3A : vector<32x32x101xi1>, vector<32x32x101xf32>
    %broadcast_in_dim3A_8 = arith.constant 0.000000e+00 : f32
    %broadcast_in_dim3A_9 = vector.broadcast %broadcast_in_dim3A_8 : f32 to vector<32x32x27xf32>
    %concatenate3A_10 = tpu.concatenate %select_n3A, %broadcast_in_dim3A_9 in 2 : vector<32x32x101xf32>, vector<32x32x27xf32> -> vector<32x32x128xf32>
    %broadcast_in_dim3A_11 = arith.constant 0.000000e+00 : f32
    %broadcast_in_dim3A_12 = vector.broadcast %broadcast_in_dim3A_11 : f32 to vector<32x152xf32>
    %get3A_13 = arith.constant 0 : index
    %get3A_14 = arith.constant 0 : index
    %get3A_15 = arith.constant 0 : index
    %get3A_16 = arith.constant 0 : index
    %get3A_17 = vector.load %arg1[%get3A_13, %get3A_14, %get3A_15, %get3A_16] : memref<1x32x76x128xi32, #tpu.memory_space<vmem>>, vector<1x1x76x128xi32>
    %get3A_18 = vector.shape_cast %get3A_17 : vector<1x1x76x128xi32> to vector<76x128xi32>
    %bitcast3A = tpu.bitcast %get3A_18 : vector<76x128xi32> -> vector<152x128xbf16>
    %slice3A_19 = vector.extract_strided_slice %concatenate3A_10 {offsets = [0, 0, 0], sizes = [1, 32, 128], strides = [1, 1, 1]} : vector<32x32x128xf32> to vector<1x32x128xf32>
    %squeeze3A = vector.shape_cast %slice3A_19 : vector<1x32x128xf32> to vector<32x128xf32>
    %convert_element_type3A = arith.extf %bitcast3A : vector<152x128xbf16> to vector<152x128xf32>
    %dot_general3A = arith.constant dense<0.000000e+00> : vector<32x152xf32>
    %dot_general3A_20 = tpu.matmul %squeeze3A, %convert_element_type3A, %dot_general3A {dimension_numbers = #tpu.dot_dimension_numbers<[1], [1], [0], [0], [0, 0, 1, 0], [], []>, transpose_lhs_hint = false} : vector<32x128xf32>, vector<152x128xf32>, vector<32x152xf32> -> vector<32x152xf32>
    %add3A_21 = arith.addf %broadcast_in_dim3A_12, %dot_general3A_20 : vector<32x152xf32>
    %get3A_22 = arith.constant 0 : index
    %get3A_23 = arith.constant 1 : index
    %get3A_24 = arith.constant 0 : index
    %get3A_25 = arith.constant 0 : index
    %get3A_26 = vector.load %arg1[%get3A_22, %get3A_23, %get3A_24, %get3A_25] : memref<1x32x76x128xi32, #tpu.memory_space<vmem>>, vector<1x1x76x128xi32>
    %get3A_27 = vector.shape_cast %get3A_26 : vector<1x1x76x128xi32> to vector<76x128xi32>
    %bitcast3A_28 = tpu.bitcast %get3A_27 : vector<76x128xi32> -> vector<152x128xbf16>
    %slice3A_29 = vector.extract_strided_slice %concatenate3A_10 {offsets = [1, 0, 0], sizes = [1, 32, 128], strides = [1, 1, 1]} : vector<32x32x128xf32> to vector<1x32x128xf32>
    %squeeze3A_30 = vector.shape_cast %slice3A_29 : vector<1x32x128xf32> to vector<32x128xf32>
    %convert_element_type3A_31 = arith.extf %bitcast3A_28 : vector<152x128xbf16> to vector<152x128xf32>
    %dot_general3A_32 = arith.constant dense<0.000000e+00> : vector<32x152xf32>
    %dot_general3A_33 = tpu.matmul %squeeze3A_30, %convert_element_type3A_31, %dot_general3A_32 {dimension_numbers = #tpu.dot_dimension_numbers<[1], [1], [0], [0], [0, 0, 1, 0], [], []>, transpose_lhs_hint = false} : vector<32x128xf32>, vector<152x128xf32>, vector<32x152xf32> -> vector<32x152xf32>
    %add3A_34 = arith.addf %add3A_21, %dot_general3A_33 : vector<32x152xf32>
    %get3A_35 = arith.constant 0 : index
    %get3A_36 = arith.constant 2 : index
    %get3A_37 = arith.constant 0 : index
    %get3A_38 = arith.constant 0 : index
    %get3A_39 = vector.load %arg1[%get3A_35, %get3A_36, %get3A_37, %get3A_38] : memref<1x32x76x128xi32, #tpu.memory_space<vmem>>, vector<1x1x76x128xi32>
    %get3A_40 = vector.shape_cast %get3A_39 : vector<1x1x76x128xi32> to vector<76x128xi32>
    %bitcast3A_41 = tpu.bitcast %get3A_40 : vector<76x128xi32> -> vector<152x128xbf16>
    %slice3A_42 = vector.extract_strided_slice %concatenate3A_10 {offsets = [2, 0, 0], sizes = [1, 32, 128], strides = [1, 1, 1]} : vector<32x32x128xf32> to vector<1x32x128xf32>
    %squeeze3A_43 = vector.shape_cast %slice3A_42 : vector<1x32x128xf32> to vector<32x128xf32>
    %convert_element_type3A_44 = arith.extf %bitcast3A_41 : vector<152x128xbf16> to vector<152x128xf32>
    %dot_general3A_45 = arith.constant dense<0.000000e+00> : vector<32x152xf32>
    %dot_general3A_46 = tpu.matmul %squeeze3A_43, %convert_element_type3A_44, %dot_general3A_45 {dimension_numbers = #tpu.dot_dimension_numbers<[1], [1], [0], [0], [0, 0, 1, 0], [], []>, transpose_lhs_hint = false} : vector<32x128xf32>, vector<152x128xf32>, vector<32x152xf32> -> vector<32x152xf32>
    %add3A_47 = arith.addf %add3A_34, %dot_general3A_46 : vector<32x152xf32>
    %get3A_48 = arith.constant 0 : index
    %get3A_49 = arith.constant 3 : index
    %get3A_50 = arith.constant 0 : index
    %get3A_51 = arith.constant 0 : index
    %get3A_52 = vector.load %arg1[%get3A_48, %get3A_49, %get3A_50, %get3A_51] : memref<1x32x76x128xi32, #tpu.memory_space<vmem>>, vector<1x1x76x128xi32>
    %get3A_53 = vector.shape_cast %get3A_52 : vector<1x1x76x128xi32> to vector<76x128xi32>
    %bitcast3A_54 = tpu.bitcast %get3A_53 : vector<76x128xi32> -> vector<152x128xbf16>
    %slice3A_55 = vector.extract_strided_slice %concatenate3A_10 {offsets = [3, 0, 0], sizes = [1, 32, 128], strides = [1, 1, 1]} : vector<32x32x128xf32> to vector<1x32x128xf32>
    %squeeze3A_56 = vector.shape_cast %slice3A_55 : vector<1x32x128xf32> to vector<32x128xf32>
    %convert_element_type3A_57 = arith.extf %bitcast3A_54 : vector<152x128xbf16> to vector<152x128xf32>
    %dot_general3A_58 = arith.constant dense<0.000000e+00> : vector<32x152xf32>
    %dot_general3A_59 = tpu.matmul %squeeze3A_56, %convert_element_type3A_57, %dot_general3A_58 {dimension_numbers = #tpu.dot_dimension_numbers<[1], [1], [0], [0], [0, 0, 1, 0], [], []>, transpose_lhs_hint = false} : vector<32x128xf32>, vector<152x128xf32>, vector<32x152xf32> -> vector<32x152xf32>
    %add3A_60 = arith.addf %add3A_47, %dot_general3A_59 : vector<32x152xf32>
    %get3A_61 = arith.constant 0 : index
    %get3A_62 = arith.constant 4 : index
    %get3A_63 = arith.constant 0 : index
    %get3A_64 = arith.constant 0 : index
    %get3A_65 = vector.load %arg1[%get3A_61, %get3A_62, %get3A_63, %get3A_64] : memref<1x32x76x128xi32, #tpu.memory_space<vmem>>, vector<1x1x76x128xi32>
    %get3A_66 = vector.shape_cast %get3A_65 : vector<1x1x76x128xi32> to vector<76x128xi32>
    %bitcast3A_67 = tpu.bitcast %get3A_66 : vector<76x128xi32> -> vector<152x128xbf16>
    %slice3A_68 = vector.extract_strided_slice %concatenate3A_10 {offsets = [4, 0, 0], sizes = [1, 32, 128], strides = [1, 1, 1]} : vector<32x32x128xf32> to vector<1x32x128xf32>
    %squeeze3A_69 = vector.shape_cast %slice3A_68 : vector<1x32x128xf32> to vector<32x128xf32>
    %convert_element_type3A_70 = arith.extf %bitcast3A_67 : vector<152x128xbf16> to vector<152x128xf32>
    %dot_general3A_71 = arith.constant dense<0.000000e+00> : vector<32x152xf32>
    %dot_general3A_72 = tpu.matmul %squeeze3A_69, %convert_element_type3A_70, %dot_general3A_71 {dimension_numbers = #tpu.dot_dimension_numbers<[1], [1], [0], [0], [0, 0, 1, 0], [], []>, transpose_lhs_hint = false} : vector<32x128xf32>, vector<152x128xf32>, vector<32x152xf32> -> vector<32x152xf32>
    %add3A_73 = arith.addf %add3A_60, %dot_general3A_72 : vector<32x152xf32>
    %get3A_74 = arith.constant 0 : index
    %get3A_75 = arith.constant 5 : index
    %get3A_76 = arith.constant 0 : index
    %get3A_77 = arith.constant 0 : index
    %get3A_78 = vector.load %arg1[%get3A_74, %get3A_75, %get3A_76, %get3A_77] : memref<1x32x76x128xi32, #tpu.memory_space<vmem>>, vector<1x1x76x128xi32>
    %get3A_79 = vector.shape_cast %get3A_78 : vector<1x1x76x128xi32> to vector<76x128xi32>
    %bitcast3A_80 = tpu.bitcast %get3A_79 : vector<76x128xi32> -> vector<152x128xbf16>
    %slice3A_81 = vector.extract_strided_slice %concatenate3A_10 {offsets = [5, 0, 0], sizes = [1, 32, 128], strides = [1, 1, 1]} : vector<32x32x128xf32> to vector<1x32x128xf32>
    %squeeze3A_82 = vector.shape_cast %slice3A_81 : vector<1x32x128xf32> to vector<32x128xf32>
    %convert_element_type3A_83 = arith.extf %bitcast3A_80 : vector<152x128xbf16> to vector<152x128xf32>
    %dot_general3A_84 = arith.constant dense<0.000000e+00> : vector<32x152xf32>
    %dot_general3A_85 = tpu.matmul %squeeze3A_82, %convert_element_type3A_83, %dot_general3A_84 {dimension_numbers = #tpu.dot_dimension_numbers<[1], [1], [0], [0], [0, 0, 1, 0], [], []>, transpose_lhs_hint = false} : vector<32x128xf32>, vector<152x128xf32>, vector<32x152xf32> -> vector<32x152xf32>
    %add3A_86 = arith.addf %add3A_73, %dot_general3A_85 : vector<32x152xf32>
    %get3A_87 = arith.constant 0 : index
    %get3A_88 = arith.constant 6 : index
    %get3A_89 = arith.constant 0 : index
    %get3A_90 = arith.constant 0 : index
    %get3A_91 = vector.load %arg1[%get3A_87, %get3A_88, %get3A_89, %get3A_90] : memref<1x32x76x128xi32, #tpu.memory_space<vmem>>, vector<1x1x76x128xi32>
    %get3A_92 = vector.shape_cast %get3A_91 : vector<1x1x76x128xi32> to vector<76x128xi32>
    %bitcast3A_93 = tpu.bitcast %get3A_92 : vector<76x128xi32> -> vector<152x128xbf16>
    %slice3A_94 = vector.extract_strided_slice %concatenate3A_10 {offsets = [6, 0, 0], sizes = [1, 32, 128], strides = [1, 1, 1]} : vector<32x32x128xf32> to vector<1x32x128xf32>
    %squeeze3A_95 = vector.shape_cast %slice3A_94 : vector<1x32x128xf32> to vector<32x128xf32>
    %convert_element_type3A_96 = arith.extf %bitcast3A_93 : vector<152x128xbf16> to vector<152x128xf32>
    %dot_general3A_97 = arith.constant dense<0.000000e+00> : vector<32x152xf32>
    %dot_general3A_98 = tpu.matmul %squeeze3A_95, %convert_element_type3A_96, %dot_general3A_97 {dimension_numbers = #tpu.dot_dimension_numbers<[1], [1], [0], [0], [0, 0, 1, 0], [], []>, transpose_lhs_hint = false} : vector<32x128xf32>, vector<152x128xf32>, vector<32x152xf32> -> vector<32x152xf32>
    %add3A_99 = arith.addf %add3A_86, %dot_general3A_98 : vector<32x152xf32>
    %get3A_100 = arith.constant 0 : index
    %get3A_101 = arith.constant 7 : index
    %get3A_102 = arith.constant 0 : index
    %get3A_103 = arith.constant 0 : index
    %get3A_104 = vector.load %arg1[%get3A_100, %get3A_101, %get3A_102, %get3A_103] : memref<1x32x76x128xi32, #tpu.memory_space<vmem>>, vector<1x1x76x128xi32>
    %get3A_105 = vector.shape_cast %get3A_104 : vector<1x1x76x128xi32> to vector<76x128xi32>
    %bitcast3A_106 = tpu.bitcast %get3A_105 : vector<76x128xi32> -> vector<152x128xbf16>
    %slice3A_107 = vector.extract_strided_slice %concatenate3A_10 {offsets = [7, 0, 0], sizes = [1, 32, 128], strides = [1, 1, 1]} : vector<32x32x128xf32> to vector<1x32x128xf32>
    %squeeze3A_108 = vector.shape_cast %slice3A_107 : vector<1x32x128xf32> to vector<32x128xf32>
    %convert_element_type3A_109 = arith.extf %bitcast3A_106 : vector<152x128xbf16> to vector<152x128xf32>
    %dot_general3A_110 = arith.constant dense<0.000000e+00> : vector<32x152xf32>
    %dot_general3A_111 = tpu.matmul %squeeze3A_108, %convert_element_type3A_109, %dot_general3A_110 {dimension_numbers = #tpu.dot_dimension_numbers<[1], [1], [0], [0], [0, 0, 1, 0], [], []>, transpose_lhs_hint = false} : vector<32x128xf32>, vector<152x128xf32>, vector<32x152xf32> -> vector<32x152xf32>
    %add3A_112 = arith.addf %add3A_99, %dot_general3A_111 : vector<32x152xf32>
    %get3A_113 = arith.constant 0 : index
    %get3A_114 = arith.constant 8 : index
    %get3A_115 = arith.constant 0 : index
    %get3A_116 = arith.constant 0 : index
    %get3A_117 = vector.load %arg1[%get3A_113, %get3A_114, %get3A_115, %get3A_116] : memref<1x32x76x128xi32, #tpu.memory_space<vmem>>, vector<1x1x76x128xi32>
    %get3A_118 = vector.shape_cast %get3A_117 : vector<1x1x76x128xi32> to vector<76x128xi32>
    %bitcast3A_119 = tpu.bitcast %get3A_118 : vector<76x128xi32> -> vector<152x128xbf16>
    %slice3A_120 = vector.extract_strided_slice %concatenate3A_10 {offsets = [8, 0, 0], sizes = [1, 32, 128], strides = [1, 1, 1]} : vector<32x32x128xf32> to vector<1x32x128xf32>
    %squeeze3A_121 = vector.shape_cast %slice3A_120 : vector<1x32x128xf32> to vector<32x128xf32>
    %convert_element_type3A_122 = arith.extf %bitcast3A_119 : vector<152x128xbf16> to vector<152x128xf32>
    %dot_general3A_123 = arith.constant dense<0.000000e+00> : vector<32x152xf32>
    %dot_general3A_124 = tpu.matmul %squeeze3A_121, %convert_element_type3A_122, %dot_general3A_123 {dimension_numbers = #tpu.dot_dimension_numbers<[1], [1], [0], [0], [0, 0, 1, 0], [], []>, transpose_lhs_hint = false} : vector<32x128xf32>, vector<152x128xf32>, vector<32x152xf32> -> vector<32x152xf32>
    %add3A_125 = arith.addf %add3A_112, %dot_general3A_124 : vector<32x152xf32>
    %get3A_126 = arith.constant 0 : index
    %get3A_127 = arith.constant 9 : index
    %get3A_128 = arith.constant 0 : index
    %get3A_129 = arith.constant 0 : index
    %get3A_130 = vector.load %arg1[%get3A_126, %get3A_127, %get3A_128, %get3A_129] : memref<1x32x76x128xi32, #tpu.memory_space<vmem>>, vector<1x1x76x128xi32>
    %get3A_131 = vector.shape_cast %get3A_130 : vector<1x1x76x128xi32> to vector<76x128xi32>
    %bitcast3A_132 = tpu.bitcast %get3A_131 : vector<76x128xi32> -> vector<152x128xbf16>
    %slice3A_133 = vector.extract_strided_slice %concatenate3A_10 {offsets = [9, 0, 0], sizes = [1, 32, 128], strides = [1, 1, 1]} : vector<32x32x128xf32> to vector<1x32x128xf32>
    %squeeze3A_134 = vector.shape_cast %slice3A_133 : vector<1x32x128xf32> to vector<32x128xf32>
    %convert_element_type3A_135 = arith.extf %bitcast3A_132 : vector<152x128xbf16> to vector<152x128xf32>
    %dot_general3A_136 = arith.constant dense<0.000000e+00> : vector<32x152xf32>
    %dot_general3A_137 = tpu.matmul %squeeze3A_134, %convert_element_type3A_135, %dot_general3A_136 {dimension_numbers = #tpu.dot_dimension_numbers<[1], [1], [0], [0], [0, 0, 1, 0], [], []>, transpose_lhs_hint = false} : vector<32x128xf32>, vector<152x128xf32>, vector<32x152xf32> -> vector<32x152xf32>
    %add3A_138 = arith.addf %add3A_125, %dot_general3A_137 : vector<32x152xf32>
    %get3A_139 = arith.constant 0 : index
    %get3A_140 = arith.constant 10 : index
    %get3A_141 = arith.constant 0 : index
    %get3A_142 = arith.constant 0 : index
    %get3A_143 = vector.load %arg1[%get3A_139, %get3A_140, %get3A_141, %get3A_142] : memref<1x32x76x128xi32, #tpu.memory_space<vmem>>, vector<1x1x76x128xi32>
    %get3A_144 = vector.shape_cast %get3A_143 : vector<1x1x76x128xi32> to vector<76x128xi32>
    %bitcast3A_145 = tpu.bitcast %get3A_144 : vector<76x128xi32> -> vector<152x128xbf16>
    %slice3A_146 = vector.extract_strided_slice %concatenate3A_10 {offsets = [10, 0, 0], sizes = [1, 32, 128], strides = [1, 1, 1]} : vector<32x32x128xf32> to vector<1x32x128xf32>
    %squeeze3A_147 = vector.shape_cast %slice3A_146 : vector<1x32x128xf32> to vector<32x128xf32>
    %convert_element_type3A_148 = arith.extf %bitcast3A_145 : vector<152x128xbf16> to vector<152x128xf32>
    %dot_general3A_149 = arith.constant dense<0.000000e+00> : vector<32x152xf32>
    %dot_general3A_150 = tpu.matmul %squeeze3A_147, %convert_element_type3A_148, %dot_general3A_149 {dimension_numbers = #tpu.dot_dimension_numbers<[1], [1], [0], [0], [0, 0, 1, 0], [], []>, transpose_lhs_hint = false} : vector<32x128xf32>, vector<152x128xf32>, vector<32x152xf32> -> vector<32x152xf32>
    %add3A_151 = arith.addf %add3A_138, %dot_general3A_150 : vector<32x152xf32>
    %get3A_152 = arith.constant 0 : index
    %get3A_153 = arith.constant 11 : index
    %get3A_154 = arith.constant 0 : index
    %get3A_155 = arith.constant 0 : index
    %get3A_156 = vector.load %arg1[%get3A_152, %get3A_153, %get3A_154, %get3A_155] : memref<1x32x76x128xi32, #tpu.memory_space<vmem>>, vector<1x1x76x128xi32>
    %get3A_157 = vector.shape_cast %get3A_156 : vector<1x1x76x128xi32> to vector<76x128xi32>
    %bitcast3A_158 = tpu.bitcast %get3A_157 : vector<76x128xi32> -> vector<152x128xbf16>
    %slice3A_159 = vector.extract_strided_slice %concatenate3A_10 {offsets = [11, 0, 0], sizes = [1, 32, 128], strides = [1, 1, 1]} : vector<32x32x128xf32> to vector<1x32x128xf32>
    %squeeze3A_160 = vector.shape_cast %slice3A_159 : vector<1x32x128xf32> to vector<32x128xf32>
    %convert_element_type3A_161 = arith.extf %bitcast3A_158 : vector<152x128xbf16> to vector<152x128xf32>
    %dot_general3A_162 = arith.constant dense<0.000000e+00> : vector<32x152xf32>
    %dot_general3A_163 = tpu.matmul %squeeze3A_160, %convert_element_type3A_161, %dot_general3A_162 {dimension_numbers = #tpu.dot_dimension_numbers<[1], [1], [0], [0], [0, 0, 1, 0], [], []>, transpose_lhs_hint = false} : vector<32x128xf32>, vector<152x128xf32>, vector<32x152xf32> -> vector<32x152xf32>
    %add3A_164 = arith.addf %add3A_151, %dot_general3A_163 : vector<32x152xf32>
    %get3A_165 = arith.constant 0 : index
    %get3A_166 = arith.constant 12 : index
    %get3A_167 = arith.constant 0 : index
    %get3A_168 = arith.constant 0 : index
    %get3A_169 = vector.load %arg1[%get3A_165, %get3A_166, %get3A_167, %get3A_168] : memref<1x32x76x128xi32, #tpu.memory_space<vmem>>, vector<1x1x76x128xi32>
    %get3A_170 = vector.shape_cast %get3A_169 : vector<1x1x76x128xi32> to vector<76x128xi32>
    %bitcast3A_171 = tpu.bitcast %get3A_170 : vector<76x128xi32> -> vector<152x128xbf16>
    %slice3A_172 = vector.extract_strided_slice %concatenate3A_10 {offsets = [12, 0, 0], sizes = [1, 32, 128], strides = [1, 1, 1]} : vector<32x32x128xf32> to vector<1x32x128xf32>
    %squeeze3A_173 = vector.shape_cast %slice3A_172 : vector<1x32x128xf32> to vector<32x128xf32>
    %convert_element_type3A_174 = arith.extf %bitcast3A_171 : vector<152x128xbf16> to vector<152x128xf32>
    %dot_general3A_175 = arith.constant dense<0.000000e+00> : vector<32x152xf32>
    %dot_general3A_176 = tpu.matmul %squeeze3A_173, %convert_element_type3A_174, %dot_general3A_175 {dimension_numbers = #tpu.dot_dimension_numbers<[1], [1], [0], [0], [0, 0, 1, 0], [], []>, transpose_lhs_hint = false} : vector<32x128xf32>, vector<152x128xf32>, vector<32x152xf32> -> vector<32x152xf32>
    %add3A_177 = arith.addf %add3A_164, %dot_general3A_176 : vector<32x152xf32>
    %get3A_178 = arith.constant 0 : index
    %get3A_179 = arith.constant 13 : index
    %get3A_180 = arith.constant 0 : index
    %get3A_181 = arith.constant 0 : index
    %get3A_182 = vector.load %arg1[%get3A_178, %get3A_179, %get3A_180, %get3A_181] : memref<1x32x76x128xi32, #tpu.memory_space<vmem>>, vector<1x1x76x128xi32>
    %get3A_183 = vector.shape_cast %get3A_182 : vector<1x1x76x128xi32> to vector<76x128xi32>
    %bitcast3A_184 = tpu.bitcast %get3A_183 : vector<76x128xi32> -> vector<152x128xbf16>
    %slice3A_185 = vector.extract_strided_slice %concatenate3A_10 {offsets = [13, 0, 0], sizes = [1, 32, 128], strides = [1, 1, 1]} : vector<32x32x128xf32> to vector<1x32x128xf32>
    %squeeze3A_186 = vector.shape_cast %slice3A_185 : vector<1x32x128xf32> to vector<32x128xf32>
    %convert_element_type3A_187 = arith.extf %bitcast3A_184 : vector<152x128xbf16> to vector<152x128xf32>
    %dot_general3A_188 = arith.constant dense<0.000000e+00> : vector<32x152xf32>
    %dot_general3A_189 = tpu.matmul %squeeze3A_186, %convert_element_type3A_187, %dot_general3A_188 {dimension_numbers = #tpu.dot_dimension_numbers<[1], [1], [0], [0], [0, 0, 1, 0], [], []>, transpose_lhs_hint = false} : vector<32x128xf32>, vector<152x128xf32>, vector<32x152xf32> -> vector<32x152xf32>
    %add3A_190 = arith.addf %add3A_177, %dot_general3A_189 : vector<32x152xf32>
    %get3A_191 = arith.constant 0 : index
    %get3A_192 = arith.constant 14 : index
    %get3A_193 = arith.constant 0 : index
    %get3A_194 = arith.constant 0 : index
    %get3A_195 = vector.load %arg1[%get3A_191, %get3A_192, %get3A_193, %get3A_194] : memref<1x32x76x128xi32, #tpu.memory_space<vmem>>, vector<1x1x76x128xi32>
    %get3A_196 = vector.shape_cast %get3A_195 : vector<1x1x76x128xi32> to vector<76x128xi32>
    %bitcast3A_197 = tpu.bitcast %get3A_196 : vector<76x128xi32> -> vector<152x128xbf16>
    %slice3A_198 = vector.extract_strided_slice %concatenate3A_10 {offsets = [14, 0, 0], sizes = [1, 32, 128], strides = [1, 1, 1]} : vector<32x32x128xf32> to vector<1x32x128xf32>
    %squeeze3A_199 = vector.shape_cast %slice3A_198 : vector<1x32x128xf32> to vector<32x128xf32>
    %convert_element_type3A_200 = arith.extf %bitcast3A_197 : vector<152x128xbf16> to vector<152x128xf32>
    %dot_general3A_201 = arith.constant dense<0.000000e+00> : vector<32x152xf32>
    %dot_general3A_202 = tpu.matmul %squeeze3A_199, %convert_element_type3A_200, %dot_general3A_201 {dimension_numbers = #tpu.dot_dimension_numbers<[1], [1], [0], [0], [0, 0, 1, 0], [], []>, transpose_lhs_hint = false} : vector<32x128xf32>, vector<152x128xf32>, vector<32x152xf32> -> vector<32x152xf32>
    %add3A_203 = arith.addf %add3A_190, %dot_general3A_202 : vector<32x152xf32>
    %get3A_204 = arith.constant 0 : index
    %get3A_205 = arith.constant 15 : index
    %get3A_206 = arith.constant 0 : index
    %get3A_207 = arith.constant 0 : index
    %get3A_208 = vector.load %arg1[%get3A_204, %get3A_205, %get3A_206, %get3A_207] : memref<1x32x76x128xi32, #tpu.memory_space<vmem>>, vector<1x1x76x128xi32>
    %get3A_209 = vector.shape_cast %get3A_208 : vector<1x1x76x128xi32> to vector<76x128xi32>
    %bitcast3A_210 = tpu.bitcast %get3A_209 : vector<76x128xi32> -> vector<152x128xbf16>
    %slice3A_211 = vector.extract_strided_slice %concatenate3A_10 {offsets = [15, 0, 0], sizes = [1, 32, 128], strides = [1, 1, 1]} : vector<32x32x128xf32> to vector<1x32x128xf32>
    %squeeze3A_212 = vector.shape_cast %slice3A_211 : vector<1x32x128xf32> to vector<32x128xf32>
    %convert_element_type3A_213 = arith.extf %bitcast3A_210 : vector<152x128xbf16> to vector<152x128xf32>
    %dot_general3A_214 = arith.constant dense<0.000000e+00> : vector<32x152xf32>
    %dot_general3A_215 = tpu.matmul %squeeze3A_212, %convert_element_type3A_213, %dot_general3A_214 {dimension_numbers = #tpu.dot_dimension_numbers<[1], [1], [0], [0], [0, 0, 1, 0], [], []>, transpose_lhs_hint = false} : vector<32x128xf32>, vector<152x128xf32>, vector<32x152xf32> -> vector<32x152xf32>
    %add3A_216 = arith.addf %add3A_203, %dot_general3A_215 : vector<32x152xf32>
    %get3A_217 = arith.constant 0 : index
    %get3A_218 = arith.constant 16 : index
    %get3A_219 = arith.constant 0 : index
    %get3A_220 = arith.constant 0 : index
    %get3A_221 = vector.load %arg1[%get3A_217, %get3A_218, %get3A_219, %get3A_220] : memref<1x32x76x128xi32, #tpu.memory_space<vmem>>, vector<1x1x76x128xi32>
    %get3A_222 = vector.shape_cast %get3A_221 : vector<1x1x76x128xi32> to vector<76x128xi32>
    %bitcast3A_223 = tpu.bitcast %get3A_222 : vector<76x128xi32> -> vector<152x128xbf16>
    %slice3A_224 = vector.extract_strided_slice %concatenate3A_10 {offsets = [16, 0, 0], sizes = [1, 32, 128], strides = [1, 1, 1]} : vector<32x32x128xf32> to vector<1x32x128xf32>
    %squeeze3A_225 = vector.shape_cast %slice3A_224 : vector<1x32x128xf32> to vector<32x128xf32>
    %convert_element_type3A_226 = arith.extf %bitcast3A_223 : vector<152x128xbf16> to vector<152x128xf32>
    %dot_general3A_227 = arith.constant dense<0.000000e+00> : vector<32x152xf32>
    %dot_general3A_228 = tpu.matmul %squeeze3A_225, %convert_element_type3A_226, %dot_general3A_227 {dimension_numbers = #tpu.dot_dimension_numbers<[1], [1], [0], [0], [0, 0, 1, 0], [], []>, transpose_lhs_hint = false} : vector<32x128xf32>, vector<152x128xf32>, vector<32x152xf32> -> vector<32x152xf32>
    %add3A_229 = arith.addf %add3A_216, %dot_general3A_228 : vector<32x152xf32>
    %get3A_230 = arith.constant 0 : index
    %get3A_231 = arith.constant 17 : index
    %get3A_232 = arith.constant 0 : index
    %get3A_233 = arith.constant 0 : index
    %get3A_234 = vector.load %arg1[%get3A_230, %get3A_231, %get3A_232, %get3A_233] : memref<1x32x76x128xi32, #tpu.memory_space<vmem>>, vector<1x1x76x128xi32>
    %get3A_235 = vector.shape_cast %get3A_234 : vector<1x1x76x128xi32> to vector<76x128xi32>
    %bitcast3A_236 = tpu.bitcast %get3A_235 : vector<76x128xi32> -> vector<152x128xbf16>
    %slice3A_237 = vector.extract_strided_slice %concatenate3A_10 {offsets = [17, 0, 0], sizes = [1, 32, 128], strides = [1, 1, 1]} : vector<32x32x128xf32> to vector<1x32x128xf32>
    %squeeze3A_238 = vector.shape_cast %slice3A_237 : vector<1x32x128xf32> to vector<32x128xf32>
    %convert_element_type3A_239 = arith.extf %bitcast3A_236 : vector<152x128xbf16> to vector<152x128xf32>
    %dot_general3A_240 = arith.constant dense<0.000000e+00> : vector<32x152xf32>
    %dot_general3A_241 = tpu.matmul %squeeze3A_238, %convert_element_type3A_239, %dot_general3A_240 {dimension_numbers = #tpu.dot_dimension_numbers<[1], [1], [0], [0], [0, 0, 1, 0], [], []>, transpose_lhs_hint = false} : vector<32x128xf32>, vector<152x128xf32>, vector<32x152xf32> -> vector<32x152xf32>
    %add3A_242 = arith.addf %add3A_229, %dot_general3A_241 : vector<32x152xf32>
    %get3A_243 = arith.constant 0 : index
    %get3A_244 = arith.constant 18 : index
    %get3A_245 = arith.constant 0 : index
    %get3A_246 = arith.constant 0 : index
    %get3A_247 = vector.load %arg1[%get3A_243, %get3A_244, %get3A_245, %get3A_246] : memref<1x32x76x128xi32, #tpu.memory_space<vmem>>, vector<1x1x76x128xi32>
    %get3A_248 = vector.shape_cast %get3A_247 : vector<1x1x76x128xi32> to vector<76x128xi32>
    %bitcast3A_249 = tpu.bitcast %get3A_248 : vector<76x128xi32> -> vector<152x128xbf16>
    %slice3A_250 = vector.extract_strided_slice %concatenate3A_10 {offsets = [18, 0, 0], sizes = [1, 32, 128], strides = [1, 1, 1]} : vector<32x32x128xf32> to vector<1x32x128xf32>
    %squeeze3A_251 = vector.shape_cast %slice3A_250 : vector<1x32x128xf32> to vector<32x128xf32>
    %convert_element_type3A_252 = arith.extf %bitcast3A_249 : vector<152x128xbf16> to vector<152x128xf32>
    %dot_general3A_253 = arith.constant dense<0.000000e+00> : vector<32x152xf32>
    %dot_general3A_254 = tpu.matmul %squeeze3A_251, %convert_element_type3A_252, %dot_general3A_253 {dimension_numbers = #tpu.dot_dimension_numbers<[1], [1], [0], [0], [0, 0, 1, 0], [], []>, transpose_lhs_hint = false} : vector<32x128xf32>, vector<152x128xf32>, vector<32x152xf32> -> vector<32x152xf32>
    %add3A_255 = arith.addf %add3A_242, %dot_general3A_254 : vector<32x152xf32>
    %get3A_256 = arith.constant 0 : index
    %get3A_257 = arith.constant 19 : index
    %get3A_258 = arith.constant 0 : index
    %get3A_259 = arith.constant 0 : index
    %get3A_260 = vector.load %arg1[%get3A_256, %get3A_257, %get3A_258, %get3A_259] : memref<1x32x76x128xi32, #tpu.memory_space<vmem>>, vector<1x1x76x128xi32>
    %get3A_261 = vector.shape_cast %get3A_260 : vector<1x1x76x128xi32> to vector<76x128xi32>
    %bitcast3A_262 = tpu.bitcast %get3A_261 : vector<76x128xi32> -> vector<152x128xbf16>
    %slice3A_263 = vector.extract_strided_slice %concatenate3A_10 {offsets = [19, 0, 0], sizes = [1, 32, 128], strides = [1, 1, 1]} : vector<32x32x128xf32> to vector<1x32x128xf32>
    %squeeze3A_264 = vector.shape_cast %slice3A_263 : vector<1x32x128xf32> to vector<32x128xf32>
    %convert_element_type3A_265 = arith.extf %bitcast3A_262 : vector<152x128xbf16> to vector<152x128xf32>
    %dot_general3A_266 = arith.constant dense<0.000000e+00> : vector<32x152xf32>
    %dot_general3A_267 = tpu.matmul %squeeze3A_264, %convert_element_type3A_265, %dot_general3A_266 {dimension_numbers = #tpu.dot_dimension_numbers<[1], [1], [0], [0], [0, 0, 1, 0], [], []>, transpose_lhs_hint = false} : vector<32x128xf32>, vector<152x128xf32>, vector<32x152xf32> -> vector<32x152xf32>
    %add3A_268 = arith.addf %add3A_255, %dot_general3A_267 : vector<32x152xf32>
    %get3A_269 = arith.constant 0 : index
    %get3A_270 = arith.constant 20 : index
    %get3A_271 = arith.constant 0 : index
    %get3A_272 = arith.constant 0 : index
    %get3A_273 = vector.load %arg1[%get3A_269, %get3A_270, %get3A_271, %get3A_272] : memref<1x32x76x128xi32, #tpu.memory_space<vmem>>, vector<1x1x76x128xi32>
    %get3A_274 = vector.shape_cast %get3A_273 : vector<1x1x76x128xi32> to vector<76x128xi32>
    %bitcast3A_275 = tpu.bitcast %get3A_274 : vector<76x128xi32> -> vector<152x128xbf16>
    %slice3A_276 = vector.extract_strided_slice %concatenate3A_10 {offsets = [20, 0, 0], sizes = [1, 32, 128], strides = [1, 1, 1]} : vector<32x32x128xf32> to vector<1x32x128xf32>
    %squeeze3A_277 = vector.shape_cast %slice3A_276 : vector<1x32x128xf32> to vector<32x128xf32>
    %convert_element_type3A_278 = arith.extf %bitcast3A_275 : vector<152x128xbf16> to vector<152x128xf32>
    %dot_general3A_279 = arith.constant dense<0.000000e+00> : vector<32x152xf32>
    %dot_general3A_280 = tpu.matmul %squeeze3A_277, %convert_element_type3A_278, %dot_general3A_279 {dimension_numbers = #tpu.dot_dimension_numbers<[1], [1], [0], [0], [0, 0, 1, 0], [], []>, transpose_lhs_hint = false} : vector<32x128xf32>, vector<152x128xf32>, vector<32x152xf32> -> vector<32x152xf32>
    %add3A_281 = arith.addf %add3A_268, %dot_general3A_280 : vector<32x152xf32>
    %get3A_282 = arith.constant 0 : index
    %get3A_283 = arith.constant 21 : index
    %get3A_284 = arith.constant 0 : index
    %get3A_285 = arith.constant 0 : index
    %get3A_286 = vector.load %arg1[%get3A_282, %get3A_283, %get3A_284, %get3A_285] : memref<1x32x76x128xi32, #tpu.memory_space<vmem>>, vector<1x1x76x128xi32>
    %get3A_287 = vector.shape_cast %get3A_286 : vector<1x1x76x128xi32> to vector<76x128xi32>
    %bitcast3A_288 = tpu.bitcast %get3A_287 : vector<76x128xi32> -> vector<152x128xbf16>
    %slice3A_289 = vector.extract_strided_slice %concatenate3A_10 {offsets = [21, 0, 0], sizes = [1, 32, 128], strides = [1, 1, 1]} : vector<32x32x128xf32> to vector<1x32x128xf32>
    %squeeze3A_290 = vector.shape_cast %slice3A_289 : vector<1x32x128xf32> to vector<32x128xf32>
    %convert_element_type3A_291 = arith.extf %bitcast3A_288 : vector<152x128xbf16> to vector<152x128xf32>
    %dot_general3A_292 = arith.constant dense<0.000000e+00> : vector<32x152xf32>
    %dot_general3A_293 = tpu.matmul %squeeze3A_290, %convert_element_type3A_291, %dot_general3A_292 {dimension_numbers = #tpu.dot_dimension_numbers<[1], [1], [0], [0], [0, 0, 1, 0], [], []>, transpose_lhs_hint = false} : vector<32x128xf32>, vector<152x128xf32>, vector<32x152xf32> -> vector<32x152xf32>
    %add3A_294 = arith.addf %add3A_281, %dot_general3A_293 : vector<32x152xf32>
    %get3A_295 = arith.constant 0 : index
    %get3A_296 = arith.constant 22 : index
    %get3A_297 = arith.constant 0 : index
    %get3A_298 = arith.constant 0 : index
    %get3A_299 = vector.load %arg1[%get3A_295, %get3A_296, %get3A_297, %get3A_298] : memref<1x32x76x128xi32, #tpu.memory_space<vmem>>, vector<1x1x76x128xi32>
    %get3A_300 = vector.shape_cast %get3A_299 : vector<1x1x76x128xi32> to vector<76x128xi32>
    %bitcast3A_301 = tpu.bitcast %get3A_300 : vector<76x128xi32> -> vector<152x128xbf16>
    %slice3A_302 = vector.extract_strided_slice %concatenate3A_10 {offsets = [22, 0, 0], sizes = [1, 32, 128], strides = [1, 1, 1]} : vector<32x32x128xf32> to vector<1x32x128xf32>
    %squeeze3A_303 = vector.shape_cast %slice3A_302 : vector<1x32x128xf32> to vector<32x128xf32>
    %convert_element_type3A_304 = arith.extf %bitcast3A_301 : vector<152x128xbf16> to vector<152x128xf32>
    %dot_general3A_305 = arith.constant dense<0.000000e+00> : vector<32x152xf32>
    %dot_general3A_306 = tpu.matmul %squeeze3A_303, %convert_element_type3A_304, %dot_general3A_305 {dimension_numbers = #tpu.dot_dimension_numbers<[1], [1], [0], [0], [0, 0, 1, 0], [], []>, transpose_lhs_hint = false} : vector<32x128xf32>, vector<152x128xf32>, vector<32x152xf32> -> vector<32x152xf32>
    %add3A_307 = arith.addf %add3A_294, %dot_general3A_306 : vector<32x152xf32>
    %get3A_308 = arith.constant 0 : index
    %get3A_309 = arith.constant 23 : index
    %get3A_310 = arith.constant 0 : index
    %get3A_311 = arith.constant 0 : index
    %get3A_312 = vector.load %arg1[%get3A_308, %get3A_309, %get3A_310, %get3A_311] : memref<1x32x76x128xi32, #tpu.memory_space<vmem>>, vector<1x1x76x128xi32>
    %get3A_313 = vector.shape_cast %get3A_312 : vector<1x1x76x128xi32> to vector<76x128xi32>
    %bitcast3A_314 = tpu.bitcast %get3A_313 : vector<76x128xi32> -> vector<152x128xbf16>
    %slice3A_315 = vector.extract_strided_slice %concatenate3A_10 {offsets = [23, 0, 0], sizes = [1, 32, 128], strides = [1, 1, 1]} : vector<32x32x128xf32> to vector<1x32x128xf32>
    %squeeze3A_316 = vector.shape_cast %slice3A_315 : vector<1x32x128xf32> to vector<32x128xf32>
    %convert_element_type3A_317 = arith.extf %bitcast3A_314 : vector<152x128xbf16> to vector<152x128xf32>
    %dot_general3A_318 = arith.constant dense<0.000000e+00> : vector<32x152xf32>
    %dot_general3A_319 = tpu.matmul %squeeze3A_316, %convert_element_type3A_317, %dot_general3A_318 {dimension_numbers = #tpu.dot_dimension_numbers<[1], [1], [0], [0], [0, 0, 1, 0], [], []>, transpose_lhs_hint = false} : vector<32x128xf32>, vector<152x128xf32>, vector<32x152xf32> -> vector<32x152xf32>
    %add3A_320 = arith.addf %add3A_307, %dot_general3A_319 : vector<32x152xf32>
    %get3A_321 = arith.constant 0 : index
    %get3A_322 = arith.constant 24 : index
    %get3A_323 = arith.constant 0 : index
    %get3A_324 = arith.constant 0 : index
    %get3A_325 = vector.load %arg1[%get3A_321, %get3A_322, %get3A_323, %get3A_324] : memref<1x32x76x128xi32, #tpu.memory_space<vmem>>, vector<1x1x76x128xi32>
    %get3A_326 = vector.shape_cast %get3A_325 : vector<1x1x76x128xi32> to vector<76x128xi32>
    %bitcast3A_327 = tpu.bitcast %get3A_326 : vector<76x128xi32> -> vector<152x128xbf16>
    %slice3A_328 = vector.extract_strided_slice %concatenate3A_10 {offsets = [24, 0, 0], sizes = [1, 32, 128], strides = [1, 1, 1]} : vector<32x32x128xf32> to vector<1x32x128xf32>
    %squeeze3A_329 = vector.shape_cast %slice3A_328 : vector<1x32x128xf32> to vector<32x128xf32>
    %convert_element_type3A_330 = arith.extf %bitcast3A_327 : vector<152x128xbf16> to vector<152x128xf32>
    %dot_general3A_331 = arith.constant dense<0.000000e+00> : vector<32x152xf32>
    %dot_general3A_332 = tpu.matmul %squeeze3A_329, %convert_element_type3A_330, %dot_general3A_331 {dimension_numbers = #tpu.dot_dimension_numbers<[1], [1], [0], [0], [0, 0, 1, 0], [], []>, transpose_lhs_hint = false} : vector<32x128xf32>, vector<152x128xf32>, vector<32x152xf32> -> vector<32x152xf32>
    %add3A_333 = arith.addf %add3A_320, %dot_general3A_332 : vector<32x152xf32>
    %get3A_334 = arith.constant 0 : index
    %get3A_335 = arith.constant 25 : index
    %get3A_336 = arith.constant 0 : index
    %get3A_337 = arith.constant 0 : index
    %get3A_338 = vector.load %arg1[%get3A_334, %get3A_335, %get3A_336, %get3A_337] : memref<1x32x76x128xi32, #tpu.memory_space<vmem>>, vector<1x1x76x128xi32>
    %get3A_339 = vector.shape_cast %get3A_338 : vector<1x1x76x128xi32> to vector<76x128xi32>
    %bitcast3A_340 = tpu.bitcast %get3A_339 : vector<76x128xi32> -> vector<152x128xbf16>
    %slice3A_341 = vector.extract_strided_slice %concatenate3A_10 {offsets = [25, 0, 0], sizes = [1, 32, 128], strides = [1, 1, 1]} : vector<32x32x128xf32> to vector<1x32x128xf32>
    %squeeze3A_342 = vector.shape_cast %slice3A_341 : vector<1x32x128xf32> to vector<32x128xf32>
    %convert_element_type3A_343 = arith.extf %bitcast3A_340 : vector<152x128xbf16> to vector<152x128xf32>
    %dot_general3A_344 = arith.constant dense<0.000000e+00> : vector<32x152xf32>
    %dot_general3A_345 = tpu.matmul %squeeze3A_342, %convert_element_type3A_343, %dot_general3A_344 {dimension_numbers = #tpu.dot_dimension_numbers<[1], [1], [0], [0], [0, 0, 1, 0], [], []>, transpose_lhs_hint = false} : vector<32x128xf32>, vector<152x128xf32>, vector<32x152xf32> -> vector<32x152xf32>
    %add3A_346 = arith.addf %add3A_333, %dot_general3A_345 : vector<32x152xf32>
    %get3A_347 = arith.constant 0 : index
    %get3A_348 = arith.constant 26 : index
    %get3A_349 = arith.constant 0 : index
    %get3A_350 = arith.constant 0 : index
    %get3A_351 = vector.load %arg1[%get3A_347, %get3A_348, %get3A_349, %get3A_350] : memref<1x32x76x128xi32, #tpu.memory_space<vmem>>, vector<1x1x76x128xi32>
    %get3A_352 = vector.shape_cast %get3A_351 : vector<1x1x76x128xi32> to vector<76x128xi32>
    %bitcast3A_353 = tpu.bitcast %get3A_352 : vector<76x128xi32> -> vector<152x128xbf16>
    %slice3A_354 = vector.extract_strided_slice %concatenate3A_10 {offsets = [26, 0, 0], sizes = [1, 32, 128], strides = [1, 1, 1]} : vector<32x32x128xf32> to vector<1x32x128xf32>
    %squeeze3A_355 = vector.shape_cast %slice3A_354 : vector<1x32x128xf32> to vector<32x128xf32>
    %convert_element_type3A_356 = arith.extf %bitcast3A_353 : vector<152x128xbf16> to vector<152x128xf32>
    %dot_general3A_357 = arith.constant dense<0.000000e+00> : vector<32x152xf32>
    %dot_general3A_358 = tpu.matmul %squeeze3A_355, %convert_element_type3A_356, %dot_general3A_357 {dimension_numbers = #tpu.dot_dimension_numbers<[1], [1], [0], [0], [0, 0, 1, 0], [], []>, transpose_lhs_hint = false} : vector<32x128xf32>, vector<152x128xf32>, vector<32x152xf32> -> vector<32x152xf32>
    %add3A_359 = arith.addf %add3A_346, %dot_general3A_358 : vector<32x152xf32>
    %get3A_360 = arith.constant 0 : index
    %get3A_361 = arith.constant 27 : index
    %get3A_362 = arith.constant 0 : index
    %get3A_363 = arith.constant 0 : index
    %get3A_364 = vector.load %arg1[%get3A_360, %get3A_361, %get3A_362, %get3A_363] : memref<1x32x76x128xi32, #tpu.memory_space<vmem>>, vector<1x1x76x128xi32>
    %get3A_365 = vector.shape_cast %get3A_364 : vector<1x1x76x128xi32> to vector<76x128xi32>
    %bitcast3A_366 = tpu.bitcast %get3A_365 : vector<76x128xi32> -> vector<152x128xbf16>
    %slice3A_367 = vector.extract_strided_slice %concatenate3A_10 {offsets = [27, 0, 0], sizes = [1, 32, 128], strides = [1, 1, 1]} : vector<32x32x128xf32> to vector<1x32x128xf32>
    %squeeze3A_368 = vector.shape_cast %slice3A_367 : vector<1x32x128xf32> to vector<32x128xf32>
    %convert_element_type3A_369 = arith.extf %bitcast3A_366 : vector<152x128xbf16> to vector<152x128xf32>
    %dot_general3A_370 = arith.constant dense<0.000000e+00> : vector<32x152xf32>
    %dot_general3A_371 = tpu.matmul %squeeze3A_368, %convert_element_type3A_369, %dot_general3A_370 {dimension_numbers = #tpu.dot_dimension_numbers<[1], [1], [0], [0], [0, 0, 1, 0], [], []>, transpose_lhs_hint = false} : vector<32x128xf32>, vector<152x128xf32>, vector<32x152xf32> -> vector<32x152xf32>
    %add3A_372 = arith.addf %add3A_359, %dot_general3A_371 : vector<32x152xf32>
    %get3A_373 = arith.constant 0 : index
    %get3A_374 = arith.constant 28 : index
    %get3A_375 = arith.constant 0 : index
    %get3A_376 = arith.constant 0 : index
    %get3A_377 = vector.load %arg1[%get3A_373, %get3A_374, %get3A_375, %get3A_376] : memref<1x32x76x128xi32, #tpu.memory_space<vmem>>, vector<1x1x76x128xi32>
    %get3A_378 = vector.shape_cast %get3A_377 : vector<1x1x76x128xi32> to vector<76x128xi32>
    %bitcast3A_379 = tpu.bitcast %get3A_378 : vector<76x128xi32> -> vector<152x128xbf16>
    %slice3A_380 = vector.extract_strided_slice %concatenate3A_10 {offsets = [28, 0, 0], sizes = [1, 32, 128], strides = [1, 1, 1]} : vector<32x32x128xf32> to vector<1x32x128xf32>
    %squeeze3A_381 = vector.shape_cast %slice3A_380 : vector<1x32x128xf32> to vector<32x128xf32>
    %convert_element_type3A_382 = arith.extf %bitcast3A_379 : vector<152x128xbf16> to vector<152x128xf32>
    %dot_general3A_383 = arith.constant dense<0.000000e+00> : vector<32x152xf32>
    %dot_general3A_384 = tpu.matmul %squeeze3A_381, %convert_element_type3A_382, %dot_general3A_383 {dimension_numbers = #tpu.dot_dimension_numbers<[1], [1], [0], [0], [0, 0, 1, 0], [], []>, transpose_lhs_hint = false} : vector<32x128xf32>, vector<152x128xf32>, vector<32x152xf32> -> vector<32x152xf32>
    %add3A_385 = arith.addf %add3A_372, %dot_general3A_384 : vector<32x152xf32>
    %get3A_386 = arith.constant 0 : index
    %get3A_387 = arith.constant 29 : index
    %get3A_388 = arith.constant 0 : index
    %get3A_389 = arith.constant 0 : index
    %get3A_390 = vector.load %arg1[%get3A_386, %get3A_387, %get3A_388, %get3A_389] : memref<1x32x76x128xi32, #tpu.memory_space<vmem>>, vector<1x1x76x128xi32>
    %get3A_391 = vector.shape_cast %get3A_390 : vector<1x1x76x128xi32> to vector<76x128xi32>
    %bitcast3A_392 = tpu.bitcast %get3A_391 : vector<76x128xi32> -> vector<152x128xbf16>
    %slice3A_393 = vector.extract_strided_slice %concatenate3A_10 {offsets = [29, 0, 0], sizes = [1, 32, 128], strides = [1, 1, 1]} : vector<32x32x128xf32> to vector<1x32x128xf32>
    %squeeze3A_394 = vector.shape_cast %slice3A_393 : vector<1x32x128xf32> to vector<32x128xf32>
    %convert_element_type3A_395 = arith.extf %bitcast3A_392 : vector<152x128xbf16> to vector<152x128xf32>
    %dot_general3A_396 = arith.constant dense<0.000000e+00> : vector<32x152xf32>
    %dot_general3A_397 = tpu.matmul %squeeze3A_394, %convert_element_type3A_395, %dot_general3A_396 {dimension_numbers = #tpu.dot_dimension_numbers<[1], [1], [0], [0], [0, 0, 1, 0], [], []>, transpose_lhs_hint = false} : vector<32x128xf32>, vector<152x128xf32>, vector<32x152xf32> -> vector<32x152xf32>
    %add3A_398 = arith.addf %add3A_385, %dot_general3A_397 : vector<32x152xf32>
    %get3A_399 = arith.constant 0 : index
    %get3A_400 = arith.constant 30 : index
    %get3A_401 = arith.constant 0 : index
    %get3A_402 = arith.constant 0 : index
    %get3A_403 = vector.load %arg1[%get3A_399, %get3A_400, %get3A_401, %get3A_402] : memref<1x32x76x128xi32, #tpu.memory_space<vmem>>, vector<1x1x76x128xi32>
    %get3A_404 = vector.shape_cast %get3A_403 : vector<1x1x76x128xi32> to vector<76x128xi32>
    %bitcast3A_405 = tpu.bitcast %get3A_404 : vector<76x128xi32> -> vector<152x128xbf16>
    %slice3A_406 = vector.extract_strided_slice %concatenate3A_10 {offsets = [30, 0, 0], sizes = [1, 32, 128], strides = [1, 1, 1]} : vector<32x32x128xf32> to vector<1x32x128xf32>
    %squeeze3A_407 = vector.shape_cast %slice3A_406 : vector<1x32x128xf32> to vector<32x128xf32>
    %convert_element_type3A_408 = arith.extf %bitcast3A_405 : vector<152x128xbf16> to vector<152x128xf32>
    %dot_general3A_409 = arith.constant dense<0.000000e+00> : vector<32x152xf32>
    %dot_general3A_410 = tpu.matmul %squeeze3A_407, %convert_element_type3A_408, %dot_general3A_409 {dimension_numbers = #tpu.dot_dimension_numbers<[1], [1], [0], [0], [0, 0, 1, 0], [], []>, transpose_lhs_hint = false} : vector<32x128xf32>, vector<152x128xf32>, vector<32x152xf32> -> vector<32x152xf32>
    %add3A_411 = arith.addf %add3A_398, %dot_general3A_410 : vector<32x152xf32>
    %get3A_412 = arith.constant 0 : index
    %get3A_413 = arith.constant 31 : index
    %get3A_414 = arith.constant 0 : index
    %get3A_415 = arith.constant 0 : index
    %get3A_416 = vector.load %arg1[%get3A_412, %get3A_413, %get3A_414, %get3A_415] : memref<1x32x76x128xi32, #tpu.memory_space<vmem>>, vector<1x1x76x128xi32>
    %get3A_417 = vector.shape_cast %get3A_416 : vector<1x1x76x128xi32> to vector<76x128xi32>
    %bitcast3A_418 = tpu.bitcast %get3A_417 : vector<76x128xi32> -> vector<152x128xbf16>
    %slice3A_419 = vector.extract_strided_slice %concatenate3A_10 {offsets = [31, 0, 0], sizes = [1, 32, 128], strides = [1, 1, 1]} : vector<32x32x128xf32> to vector<1x32x128xf32>
    %squeeze3A_420 = vector.shape_cast %slice3A_419 : vector<1x32x128xf32> to vector<32x128xf32>
    %convert_element_type3A_421 = arith.extf %bitcast3A_418 : vector<152x128xbf16> to vector<152x128xf32>
    %dot_general3A_422 = arith.constant dense<0.000000e+00> : vector<32x152xf32>
    %dot_general3A_423 = tpu.matmul %squeeze3A_420, %convert_element_type3A_421, %dot_general3A_422 {dimension_numbers = #tpu.dot_dimension_numbers<[1], [1], [0], [0], [0, 0, 1, 0], [], []>, transpose_lhs_hint = false} : vector<32x128xf32>, vector<152x128xf32>, vector<32x152xf32> -> vector<32x152xf32>
    %add3A_424 = arith.addf %add3A_411, %dot_general3A_423 : vector<32x152xf32>
    %slice3A_425 = vector.extract_strided_slice %add3A_424 {offsets = [0, 0], sizes = [32, 151], strides = [1, 1]} : vector<32x152xf32> to vector<32x151xf32>
    %mul3A = arith.constant 5.000000e-01 : f32
    %mul3A_426 = vector.broadcast %mul3A : f32 to vector<32x151xf32>
    %mul3A_427 = arith.mulf %slice3A_425, %mul3A_426 : vector<32x151xf32>
    %reduce_max3A = arith.constant dense<0xFF800000> : vector<32xf32>
    %reduce_max3A_428 = vector.multi_reduction <maximumf>, %mul3A_427, %reduce_max3A [1] : vector<32x151xf32> to vector<32xf32>
    %broadcast_in_dim3A_429 = vector.shape_cast %reduce_max3A_428 : vector<32xf32> to vector<32x1xf32>
    %sub3A = vector.broadcast %broadcast_in_dim3A_429 : vector<32x1xf32> to vector<32x151xf32>
    %sub3A_430 = arith.subf %mul3A_427, %sub3A : vector<32x151xf32>
    %exp3A = math.exp %sub3A_430 : vector<32x151xf32>
    %reduce_sum3A = arith.constant dense<0.000000e+00> : vector<32xf32>
    %reduce_sum3A_431 = vector.multi_reduction <add>, %exp3A, %reduce_sum3A [1] : vector<32x151xf32> to vector<32xf32>
    %broadcast_in_dim3A_432 = vector.shape_cast %reduce_sum3A_431 : vector<32xf32> to vector<32x1xf32>
    %log3A = math.log %broadcast_in_dim3A_432 : vector<32x1xf32>
    %sub3A_433 = vector.broadcast %log3A : vector<32x1xf32> to vector<32x151xf32>
    %sub3A_434 = arith.subf %sub3A_430, %sub3A_433 : vector<32x151xf32>
    %get3A_435 = arith.constant 0 : index
    %get3A_436 = arith.constant 0 : index
    %get3A_437 = arith.constant 0 : index
    %get3A_438 = vector.load %arg3[%get3A_435, %get3A_436, %get3A_437] : memref<1x32x1xi32, #tpu.memory_space<vmem>>, vector<1x32x1xi32>
    %get3A_439 = vector.shape_cast %get3A_438 : vector<1x32x1xi32> to vector<32x1xi32>
    %iota3A_440 = tpu.iota {dimensions = array<i32: 1>} : vector<32x151xi32>
    %eq3A_441 = vector.broadcast %get3A_439 : vector<32x1xi32> to vector<32x151xi32>
    %eq3A_442 = arith.cmpi eq, %iota3A_440, %eq3A_441 : vector<32x151xi32>
    %jit3A_443 = arith.constant 0.000000e+00 : f32
    %broadcast_in_dim3A_444 = vector.broadcast %jit3A_443 : f32 to vector<32x151xf32>
    %select_n3A_445 = arith.select %eq3A_442, %sub3A_434, %broadcast_in_dim3A_444 : vector<32x151xi1>, vector<32x151xf32>
    %reduce_sum3A_446 = vector.shape_cast %select_n3A_445 : vector<32x151xf32> to vector<1x32x151xf32>
    %reduce_sum3A_447 = arith.constant dense<0.000000e+00> : vector<1xf32>
    %reduce_sum3A_448 = vector.multi_reduction <add>, %reduce_sum3A_446, %reduce_sum3A_447 [1, 2] : vector<1x32x151xf32> to vector<1xf32>
    %reduce_sum3A_449 = vector.shape_cast %reduce_sum3A_448 : vector<1xf32> to vector<1x1x1xf32>
    %reduce_sum3A_450 = vector.extract %reduce_sum3A_449[0, 0, 0] : f32 from vector<1x1x1xf32>
    %eq3A_451 = arith.constant 0 : i32
    %eq3A_452 = arith.cmpi eq, %arg0, %eq3A_451 : i32
    %convert_element_type3A_453 = arith.extui %eq3A_452 : i1 to i32
    %cond3A = arith.constant 0 : i32
    %cond3A_454 = arith.cmpi ne, %convert_element_type3A_453, %cond3A : i32
    scf.if %cond3A_454 {
      %broadcast_in_dim3A_464 = arith.constant 0.000000e+00 : f32
      %broadcast_in_dim3A_465 = vector.broadcast %broadcast_in_dim3A_464 : f32 to vector<1x1xf32>
      %swap3A_466 = arith.constant 0 : index
      %swap3A_467 = arith.constant 0 : index
      %swap3A_468 = vector.load %arg4[%swap3A_466, %swap3A_467] : memref<1x1xf32, #tpu.memory_space<vmem>>, vector<1x1xf32>
      tpu.vector_store %arg4[%swap3A_466, %swap3A_467], %broadcast_in_dim3A_465 {strides = array<i32>} : memref<1x1xf32, #tpu.memory_space<vmem>>, vector<1x1xf32>,
    } else {
    }
    %get3A_455 = arith.constant 0 : index
    %get3A_456 = arith.constant 0 : index
    %get3A_457 = vector.load %arg4[%get3A_455, %get3A_456] : memref<1x1xf32, #tpu.memory_space<vmem>>, vector<1x1xf32>
    %neg3A = arith.constant 0.000000e+00 : f32
    %neg3A_458 = arith.subf %neg3A, %reduce_sum3A_450 : f32
    %div3A = arith.constant 2.560000e+02 : f32
    %div3A_459 = arith.divf %neg3A_458, %div3A : f32
    %add3A_460 = vector.broadcast %div3A_459 : f32 to vector<1x1xf32>
    %add3A_461 = arith.addf %get3A_457, %add3A_460 : vector<1x1xf32>
    %swap3A = arith.constant 0 : index
    %swap3A_462 = arith.constant 0 : index
    %swap3A_463 = vector.load %arg4[%swap3A, %swap3A_462] : memref<1x1xf32, #tpu.memory_space<vmem>>, vector<1x1xf32>
    tpu.vector_store %arg4[%swap3A, %swap3A_462], %add3A_461 {strides = array<i32>} : memref<1x1xf32, #tpu.memory_space<vmem>>, vector<1x1xf32>,
    return
  }
  func.func @transform_0(%arg0: i32) -> (i32, i32, i32, i32) {
    %c0_i32 = arith.constant 0 : i32
    %c0_i32_0 = arith.constant 0 : i32
    %c0_i32_1 = arith.constant 0 : i32
    %c0_i32_2 = arith.constant 0 : i32
    return %arg0, %c0_i32, %c0_i32_0, %c0_i32_1 : i32, i32, i32, i32
  }
  func.func @transform_1(%arg0: i32) -> (i32, i32, i32, i32) {
    %c0_i32 = arith.constant 0 : i32
    %c0_i32_0 = arith.constant 0 : i32
    %c0_i32_1 = arith.constant 0 : i32
    %c0_i32_2 = arith.constant 0 : i32
    return %arg0, %c0_i32, %c0_i32_0, %c0_i32_1 : i32, i32, i32, i32
  }
  func.func @transform_2(%arg0: i32) -> (i32, i32, i32) {
    %c0_i32 = arith.constant 0 : i32
    %c0_i32_0 = arith.constant 0 : i32
    %c0_i32_1 = arith.constant 0 : i32
    return %arg0, %c0_i32, %c0_i32_0 : i32, i32, i32
  }
  func.func @transform_3(%arg0: i32) -> (i32, i32) {
    %c0_i32 = arith.constant 0 : i32
    %c0_i32_0 = arith.constant 0 : i32
    %c0_i32_1 = arith.constant 0 : i32
    return %c0_i32, %c0_i32_0 : i32, i32
  }
}

</mosaic_0001>

<sc_bundles>
// kernel: kernel.5.cloned.1.call-start
scs
__scs_entry_jumppad:
0x0: {  	(pc) =	sbr.rel $0x88, $3  }
0x1: {  	(tag) =	ssettag $0x0;
	lr =	simm.s32 $0x1  }
0x2: {  	[smem:$0x3F9E] =	sst lr;
	_ =	strace $0xD0000000  }
0x3: {  	_ = 	snop  }
0x4: {  	_ = 	snop  }
0x5: {  	_ = 	snop  }
0x6: {  	_ = 	snop  }
0x7: {  	_ = 	snop  }
__scs_overlays_trampoline_lowered:
0x8: {  	[smem:$0x3FAD] =	sst s0  }
0x9: {  	[smem:$0x3FAE] =	sst s1  }
0xa: {  	[smem:$0x3FAF] =	sst s2  }
0xb: {  	[smem:$0x3FB0] =	sst s3  }
0xc: {  	[smem:$0x3FB1] =	sst s4  }
0xd: {  	[smem:$0x3FB2] =	sst s5  }
0xe: {  	[smem:$0x3FB3] =	sst s6  }
0xf: {  	[smem:$0x3FB4] =	sst s7  }
0x10: {  	[smem:$0x3FB5] =	sst s8  }
0x11: {  	[smem:$0x3FB6] =	sst s9;
	s0 =	simm.s32 @!p0 $0x0  }
0x12: {  	s1 =	sld [smem:$0x3F9C];
	s0 =	simm.s32 @p0 $0x1  }
0x13: {  	[smem:$0x3FB7] =	sst s0;
	s0 =	simm.s32 @!p1 $0x0  }
0x14: {  	s2 =	sld [smem:$0x3F9B];
	s0 =	simm.s32 @p1 $0x1  }
0x15: {  	[smem:$0x3FB8] =	sst s0;
	s0 =	simm.s32 @!p2 $0x0  }
0x16: {  	s3 =	sld [smem:$0x3FDB];
	s0 =	simm.s32 @p2 $0x1  }
0x17: {  	s4 =	simm.s32 $0x1BF5;
	[smem:$0x3FBA] =	sst s0  }
0x18: {  	s0 =	sld [smem:$0x3F9D];
	_ =	swait.ge [sflag:s4], $0x0  }
0x19: {  	s7 =	sld [smem:$0x3F9E]  }
0x1a: {  	s8 =	sadd.s32 $0xFFFFE003, lr  }
0x1b: {  	s9 =	sadd.s32 $0xFFFFFEF7, lr;
	s5 =	simm.s32 $0xFFFFFFFF;
	p2 =	slt.u32 s8, $0xFFFFF086  }
0x1c: {  	p1 =	slt.u32 s9, $0xF7A;
	s5 =	simm.s32 @!p2 $0x0  }
0x1d: {  	s5 =	simm.s32 @p1 $0x1;
	p0 =	seq.s32 s7, s2  }
0x1e: {  	s7 =	smul.u32 @!p0 $0xF7A, s2;
	p2 =	seq.s32 @!p0 s5, $0x0  }
0x1f: {  	s9 =	smul.u32 $0xF7A, s1;
	s8 =	simm.s32 @!p0 $0x1BF5;
	p2 =	por !p2, p0  }
0x20: {  	[sflag:s8] =	ssyncset.s32 @!p0 $0xFFFFF086;
	s6 =	sadd.s32 @!p0 s3, s7;
	s7 =	simm.s32 @!p0 $0x108  }
0x21: {  	s3 =	sadd.s32 s3, s9;
	s6 =	sadd.s32 @!p0 $0x88, s6;
	s7 =	simm.s32 @p2 $0x1082  }
0x22: {  	[simem:s7], [sflag:s8] =	dma.local @!p0 [hbm:s6], $0xF7A  }
0x23: {  	s9 =	sor.u32 $0xD0000000, s2;
	s6 =	simm.s32 $0x108;
	_ =	swait.ge @!p0 [sflag:s8], $0x0  }
0x24: {  	s3 =	sadd.s32 $0x88, s3;
	s6 =	simm.s32 @!p1 $0x1082;
	[sflag:s4] =	ssyncset.s32 $0xFFFFF086  }
0x25: {  	[simem:s6], [sflag:s4] =	dma.local [hbm:s3], $0xF7A  }
0x26: {  	[smem:$0x3F9E] =	sst s1;
	(tag) =	ssettag s2;
	_ =	strace s9  }
0x27: {  	s1 =	sld [smem:$0x3FAE]  }
0x28: {  	s2 =	sld [smem:$0x3FAF]  }
0x29: {  	s4 =	sld [smem:$0x3FB1]  }
0x2a: {  	p0 =	seq.s32 s5, $0x0;
	s5 =	sld [smem:$0x3FB2]  }
0x2b: {  	s6 =	sld [smem:$0x3FB3]  }
0x2c: {  	s7 =	sld [smem:$0x3FB4]  }
0x2d: {  	s3 =	simm.s32 $0x108;
	s8 =	sld [smem:$0x3FB5]  }
0x2e: {  	s3 =	simm.s32 @!p0 $0x1082;
	s9 =	sld [smem:$0x3FB6]  }
0x2f: {  	lr =	sadd.s32 s0, s3;
	s0 =	sld [smem:$0x3FAD]  }
0x30: {  	s3 =	sld [smem:$0x3FB0]  }
0x31: {  	[smem:$0x3FB9] =	sst s10  }
0x32: {  	s10 =	sld [smem:$0x3FB7];
	_ =	sdelay $0x3  }
0x33: {  	p0 =	seq.s32 s10, $0x1;
	s10 =	sld [smem:$0x3FB9];
	_ =	sdelay $0x3  }
0x34: {  	[smem:$0x3FB9] =	sst s10  }
0x35: {  	s10 =	sld [smem:$0x3FB8];
	_ =	sdelay $0x3  }
0x36: {  	p1 =	seq.s32 s10, $0x1;
	s10 =	sld [smem:$0x3FB9];
	_ =	sdelay $0x3  }
0x37: {  	[smem:$0x3FB9] =	sst s10  }
0x38: {  	s10 =	sld [smem:$0x3FBA]  }
0x39: {  	_ = 	snop;
	(pc) =	sbr.ind lr, $3  }
0x3a: {  	_ = 	snop  }
0x3b: {  	_ = 	snop  }
0x3c: {  	p2 =	seq.s32 s10, $0x1;
	s10 =	sld [smem:$0x3FB9]  }
0x3d: {  	_ =	shalt  }
0x3e: {  	_ =	shalt  }
0x3f: {  	_ =	shalt  }
0x40: {  	_ =	shalt  }
0x41: {  	_ =	shalt  }
0x42: {  	_ =	shalt  }
0x43: {  	_ =	shalt  }
0x44: {  	_ =	shalt  }
0x45: {  	_ =	shalt  }
0x46: {  	_ =	shalt  }
0x47: {  	_ =	shalt  }
0x48: {  	_ =	shalt  }
0x49: {  	_ =	shalt  }
0x4a: {  	_ =	shalt  }
0x4b: {  	_ =	shalt  }
0x4c: {  	_ =	shalt  }
0x4d: {  	_ =	shalt  }
0x4e: {  	_ =	shalt  }
0x4f: {  	_ =	shalt  }
0x50: {  	_ =	shalt  }
0x51: {  	_ =	shalt  }
0x52: {  	_ =	shalt  }
0x53: {  	_ =	shalt  }
0x54: {  	_ =	shalt  }
0x55: {  	_ =	shalt  }
0x56: {  	_ =	shalt  }
0x57: {  	_ =	shalt  }
0x58: {  	_ =	shalt  }
0x59: {  	_ =	shalt  }
0x5a: {  	_ =	shalt  }
0x5b: {  	_ =	shalt  }
0x5c: {  	_ =	shalt  }
0x5d: {  	_ =	shalt  }
0x5e: {  	_ =	shalt  }
0x5f: {  	_ =	shalt  }
0x60: {  	_ =	shalt  }
0x61: {  	_ =	shalt  }
0x62: {  	_ =	shalt  }
0x63: {  	_ =	shalt  }
0x64: {  	_ =	shalt  }
0x65: {  	_ =	shalt  }
0x66: {  	_ =	shalt  }
0x67: {  	_ =	shalt  }
0x68: {  	_ =	shalt  }
0x69: {  	_ =	shalt  }
0x6a: {  	_ =	shalt  }
0x6b: {  	_ =	shalt  }
0x6c: {  	_ =	shalt  }
0x6d: {  	_ =	shalt  }
0x6e: {  	_ =	shalt  }
0x6f: {  	_ =	shalt  }
0x70: {  	_ =	shalt  }
0x71: {  	_ =	shalt  }
0x72: {  	_ =	shalt  }
0x73: {  	_ =	shalt  }
0x74: {  	_ =	shalt  }
0x75: {  	_ =	shalt  }
0x76: {  	_ =	shalt  }
0x77: {  	_ =	shalt  }
0x78: {  	_ =	shalt  }
0x79: {  	_ =	shalt  }
0x7a: {  	_ =	shalt  }
0x7b: {  	_ =	shalt  }
0x7c: {  	_ =	shalt  }
0x7d: {  	_ =	shalt  }
0x7e: {  	_ =	shalt  }
0x7f: {  	_ =	shalt  }
0x80: {  	_ =	shalt  }
0x81: {  	_ =	shalt  }
0x82: {  	_ =	shalt  }
0x83: {  	_ =	shalt  }
0x84: {  	_ =	shalt  }
0x85: {  	_ =	shalt  }
0x86: {  	_ =	shalt  }
0x87: {  	_ =	shalt  }
.Lfunc_end0:
.L_simem_size_0:
called_computation_lowered:
.L_overlay_start_0:
0x88: {  	s2 =	sld [smem:$0x3FD9]  }
0x89: {  	s3 =	sld [smem:$0x3FFE];
	_ =	sdelay $0x1  }
0x8a: {  	s1 =	srdreg.scid  }
0x8b: {  	s0 =	sand.u32 $0x1, s1  }
0x8c: {  	s16 =	sshll.u32 s0, $0xA;
	s2 =	sadd.s32 s3, s2  }
0x8d: {  	s2 =	sadd.s32 s2, s16  }
0x8e: {  	[smem:$0x3FC5] =	sst s2  }
0x8f: {  	_ = 	snop  }
0x90: {  	(tm) =	ssettm $0x1  }
0x91: {  	s17 =	sld [smem:$0x3FFB];
	_ =	sdelay $0x3  }
0x92: {  	_ =	strace s17  }
0x93: {  	s2 =	sld [smem:$0x3FFC];
	_ =	sdelay $0x3  }
0x94: {  	_ =	strace s2  }
0x95: {  	s2 =	sld [smem:$0x3FFD];
	_ =	sdelay $0x3  }
0x96: {  	_ =	strace s2  }
0x97: {  	_ =	strace $0x8FFFFFFF  }
0x98: {  	s18 =	sld [smem:$0x3FDB];
	_ =	sdelay $0x1  }
0x99: {  	s19 =	simm.s32 $_scs_section_size  }
0x9a: {  	s4 =	simm.s32 $_size__tile_overlayer_lowered;
	s5 =	simm.s32 $_tile_overlayer_lowered  }
0x9b: {  	s22 =	simm.s32 $0x1BFF;
	s21 =	sshll.u32 s5, $0x1;
	s2 =	sadd.s32 s19, s18  }
0x9c: {  	s6 =	simm.s32 $0x0;
	s20 =	sshll.u32 s4, $0x1;
	s4 =	sadd.s32 s21, s2  }
0x9d: {  	[timem:s6], [sflag:s22] =	dma.local [hbm:s4], s20  }
0x9e: {  	_ =	swait.ge [sflag:s22], s20  }
0x9f: {  	s3 =	ssub.s32 $0x0, s20;
	[sflag:s22] =	ssyncset.done $0x0  }
0xa0: {  	[sflag:s22] =	ssyncadd.s32 s3;
	_ =	sdelay $0x1  }
0xa1: {  	s23 =	simm.s32 $0x1B8B  }
0xa2: {  	_ =	swait.ge [sflag:s23], $0x1  }
0xa3: {  	[sflag:s23] =	ssyncset.done $0x0  }
0xa4: {  	s25 =	simm.s32 $0x1B8E;
	s24 =	sld [smem:$0x3FFE];
	[sflag:s23] =	ssyncadd.s32 $0xFFFFFFFF  }
0xa5: {  	s26 =	simm.s32 $execute0_lowered;
	[smem:$0x3FD2] =	sst s25  }
0xa6: {  	s4 =	sshll.u32 s26, $0x1;
	_ =	strace $0x80000046;
	[dreg:$0x1] =	wrdreg $0xFFFFFFFF  }
0xa7: {  	s28 =	simm.s32 $_size_execute0_lowered;
	s2 =	sadd.s32 s2, s4;
	[dreg:$0x0] =	wrdreg $0x0  }
0xa8: {  	s4 =	sshll.u32 s28, $0x1;
	[dreg:$0x2] =	wrdreg s2  }
0xa9: {  	[dreg:$0x3] =	wrdreg s4  }
0xaa: {  	[dreg:$0x4] =	wrdreg $0xC0  }
0xab: {  	_ =	task [dreg:s6], $0x5FFFF  }
0xac: {  	[dreg:$0x1] =	wrdreg $0xFFFFFFFF  }
0xad: {  	[dreg:$0x0] =	wrdreg $0x60  }
0xae: {  	[dreg:$0x2] =	wrdreg s24  }
0xaf: {  	[dreg:$0x3] =	wrdreg $0x9  }
0xb0: {  	_ =	task.clear_ibuf [dreg:s6], $0x4FFFF;
	_ =	strace $0x90000046  }
0xb1: {  	s29 =	simm.s32 $0x9;
	_ =	strace $0x80000048  }
0xb2: {  	_ =	swait.ge [sflag:s29], $0x1  }
0xb3: {  	[sflag:s29] =	ssyncadd.s32 $0xFFFFFFFF  }
0xb4: {  	_ =	strace $0x90000048  }
0xb5: {  	_ =	sfence  }
0xb6: {  	s30 =	sld [smem:$0x0];
	_ =	sdelay $0x2  }
0xb7: {  	s31 =	sshll.u32 s1, $0xD;
	s1 =	sshrl.u32 s1, $0x2  }
0xb8: {  	s3 =	sand.u32 $0x4000, s31;
	s1 =	sadd.s32 s1, s30  }
0xb9: {  	s0 =	sor.u32 s3, s0;
	s1 =	sshll.u32 s1, $0x11  }
0xba: {  	s0 =	sor.u32 s1, s0  }
0xbb: {  	s0 =	sadd.s32 $0x8F2B, s0  }
0xbc: {  	[sflag:s0] =	ssyncadd.remote.s32 $0x1  }
0xbd: {  	_ =	sfence.sel $0xFFFF  }
0xbe: {  	[dreg:$0x0] =	wrdreg $0xFFFFFFFF;
	(pc) =	sbr.abs _section_cstart, $3  }
0xbf: {  	[dreg:$0x1] =	wrdreg $0xFFFFFFFF  }
0xc0: {  	_ =	task.clear_ibuf [dreg:s6], $0x2FFFF;
	_ =	strace $0x9FFFFFFF  }
0xc1: {  	(tm) =	ssettm $0x7FFFFFFF  }
tec
execute0_lowered:
.L_overlay_start_1:
0x0: {  	(tag) =	ssettag $0x1  }
0x1: {  	s1 =	srdreg.scid;
	s0 =	stileid.u32  }
0x2: {  	s16 =	sand.u32 $0x1, s1;
	s24 =	sshll.u32 s0, $0x1  }
0x3: {  	s11 =	rddreg [dreg:$0x0];
	s6 =	sor.u32 s16, s24  }
0x4: {  	s2 =	simm.s32 $0x0;
	s1 =	rddreg [dreg:$0x1];
	s3 =	sshll.u32 s6, $0x5  }
0x5: {  	[smem:$0x7FF] =	sst s2;
	s15 =	sadd.s32 s3, s11  }
0x6: {  	_ =	strace $0x80000047;
	s3 =	simm.s32 $0x2;
	s4 =	sadd.s32 $0x30200, s15  }
0x7: {  	[tilespmem:s2], [sflag:$0x2] =	stream.linear.gather [hbm4b:s4+s2], $0x80, $0x38;
	[tilespmem:$0xA080] =	vst v63  }
0x8: {  	_ =	swait.ge [sflag:s3], $0x80  }
0x9: {  	[sflag:s3] =	ssyncset.done $0x0  }
0xa: {  	[sflag:s3] =	ssyncadd.s32 $0xFFFFFF80  }
0xb: {  	v0 =	vld.msk [tilespmem:$0x0], $0xf;
	_ =	sdelay $0x4  }
0xc: {  	v0 =	vmul.u32 $0x2800, v0;
	_ =	sdelay $0x1  }
0xd: {  	s5 =	sadd.s32 $0xE00, s11;
	v0 =	vshrl.u32 v0, $0x3  }
0xe: {  	v0 =	vadd.s32 s5, v0  }
0xf: {  	(v2sf) =	vpush v0, $0x0;
	_ =	sdelay $0x1  }
0x10: {  	(v2sf) =	vpush v0, $0x1;
	_ =	sdelay $0x1  }
0x11: {  	(v2sf) =	vpush v0, $0x2;
	_ =	sdelay $0x1  }
0x12: {  	(v2sf) =	vpush v0, $0x3;
	_ =	sdelay $0x6  }
0x13: {  	s7 =	sshrl.u32 s0, $0x1  }
0x14: {  	s9 =	smul.u32 $0x50000, s7  }
0x15: {  	s8 =	sand.u32 $0x3, s6;
	s6 =	simm.s32 $0x80;
	s25 =	spop (v2sf)  }
0x16: {  	[tilespmem:s6], [sflag:$0x1] =	stream.linear.gather [hbm4b:s25+s2], $0x2600, $0x38;
	[tilespmem:$0xA080] =	vst v63  }
0x17: {  	s7 =	simm.s32 $0x2880;
	s8 =	smul.u32 $0x14000, s8;
	s10 =	spop (v2sf)  }
0x18: {  	[tilespmem:s7], [sflag:$0x1] =	stream.linear.gather [hbm4b:s10+s2], $0x2600, $0x38;
	[tilespmem:$0xA080] =	vst v63  }
0x19: {  	s12 =	sadd.s32 s9, s8;
	s8 =	simm.s32 $0x5080;
	s26 =	spop (v2sf)  }
0x1a: {  	[tilespmem:s8], [sflag:$0x1] =	stream.linear.gather [hbm4b:s26+s2], $0x2600, $0x38;
	[tilespmem:$0xA080] =	vst v63  }
0x1b: {  	s9 =	simm.s32 $0x7880;
	s10 =	simm.s32 $0x1;
	s13 =	spop (v2sf)  }
0x1c: {  	[tilespmem:s9], [sflag:$0x1] =	stream.linear.gather [hbm4b:s13+s2], $0x2600, $0x38;
	[tilespmem:$0xA080] =	vst v63  }
0x1d: {  	s12 =	sshrl.u32 s12, $0x3;
	_ =	swait.ge [sflag:s10], $0x9800  }
0x1e: {  	s17 =	sadd.s32 s12, s11;
	[sflag:s10] =	ssyncset.done $0x0  }
0x1f: {  	s11 =	sadd.s32 $0x30600, s17;
	[sflag:s10] =	ssyncadd.s32 $0xFFFF6800  }
0x20: {  	[hbm4b:s11+s2] =	stream.linear.scatter [tilespmem:s6], [sflag:$0x2], $0x2600, $0x38;
	[tilespmem:$0xA080] =	vst v63  }
0x21: {  	s12 =	sadd.s32 $0x500, s11  }
0x22: {  	[hbm4b:s12+s2] =	stream.linear.scatter [tilespmem:s7], [sflag:$0x2], $0x2600, $0x38;
	[tilespmem:$0xA080] =	vst v63  }
0x23: {  	s13 =	sadd.s32 $0xA00, s11  }
0x24: {  	[hbm4b:s13+s2] =	stream.linear.scatter [tilespmem:s8], [sflag:$0x2], $0x2600, $0x38;
	[tilespmem:$0xA080] =	vst v63  }
0x25: {  	s14 =	sadd.s32 $0xF00, s11  }
0x26: {  	[hbm4b:s14+s2] =	stream.linear.scatter [tilespmem:s9], [sflag:$0x2], $0x2600, $0x38;
	[tilespmem:$0xA080] =	vst v63  }
0x27: {  	_ =	swait.ge [sflag:s3], $0x9800  }
0x28: {  	[sflag:s3] =	ssyncset.done $0x0  }
0x29: {  	s15 =	sadd.s32 $0x30210, s15;
	[sflag:s3] =	ssyncadd.s32 $0xFFFF6800  }
0x2a: {  	[tilespmem:s2], [sflag:$0x2] =	stream.linear.gather [hbm4b:s15+s2], $0x80, $0x38;
	[tilespmem:$0xA080] =	vst v63  }
0x2b: {  	_ =	swait.ge [sflag:s3], $0x80  }
0x2c: {  	[sflag:s3] =	ssyncset.done $0x0  }
0x2d: {  	[sflag:s3] =	ssyncadd.s32 $0xFFFFFF80  }
0x2e: {  	v63 =	vld.msk [tilespmem:$0x0], $0xf;
	_ =	sdelay $0x4  }
0x2f: {  	v0 =	vmul.u32 $0x2800, v63;
	_ =	sdelay $0x1  }
0x30: {  	v0 =	vshrl.u32 v0, $0x3  }
0x31: {  	v0 =	vadd.s32 s5, v0  }
0x32: {  	(v2sf) =	vpush v0, $0x0;
	_ =	sdelay $0x1  }
0x33: {  	(v2sf) =	vpush v0, $0x1;
	_ =	sdelay $0x1  }
0x34: {  	(v2sf) =	vpush v0, $0x2;
	_ =	sdelay $0x1  }
0x35: {  	(v2sf) =	vpush v0, $0x3;
	_ =	sdelay $0x8  }
0x36: {  	s18 =	spop (v2sf)  }
0x37: {  	[tilespmem:s6], [sflag:$0x1] =	stream.linear.gather [hbm4b:s18+s2], $0x2600, $0x38;
	[tilespmem:$0xA080] =	vst v63  }
0x38: {  	s28 =	spop (v2sf)  }
0x39: {  	[tilespmem:s7], [sflag:$0x1] =	stream.linear.gather [hbm4b:s28+s2], $0x2600, $0x38;
	[tilespmem:$0xA080] =	vst v63  }
0x3a: {  	s29 =	spop (v2sf)  }
0x3b: {  	[tilespmem:s8], [sflag:$0x1] =	stream.linear.gather [hbm4b:s29+s2], $0x2600, $0x38;
	[tilespmem:$0xA080] =	vst v63  }
0x3c: {  	s30 =	spop (v2sf)  }
0x3d: {  	[tilespmem:s9], [sflag:$0x1] =	stream.linear.gather [hbm4b:s30+s2], $0x2600, $0x38;
	[tilespmem:$0xA080] =	vst v63  }
0x3e: {  	s31 =	ssub.s32 $0x2, s16;
	_ =	swait.ge [sflag:s10], $0x9800  }
0x3f: {  	s19 =	sshrl.u32 s31, $0x1;
	[sflag:s10] =	ssyncset.done $0x0  }
0x40: {  	s19 =	ssub.s32 s31, s19;
	s16 =	sadd.s32 $0x31A00, s17;
	[sflag:s10] =	ssyncadd.s32 $0xFFFF6800  }
0x41: {  	[hbm4b:s16+s2] =	stream.linear.scatter [tilespmem:s6], [sflag:$0x2], $0x2600, $0x38;
	[tilespmem:$0xA080] =	vst v63  }
0x42: {  	s20 =	smax.u32 s19, $0x1;
	s17 =	sadd.s32 $0x500, s16  }
0x43: {  	[hbm4b:s17+s2] =	stream.linear.scatter [tilespmem:s7], [sflag:$0x2], $0x2600, $0x38;
	[tilespmem:$0xA080] =	vst v63  }
0x44: {  	p0 =	sne.s32 s20, $0x1;
	s18 =	sadd.s32 $0xA00, s16  }
0x45: {  	[hbm4b:s18+s2] =	stream.linear.scatter [tilespmem:s8], [sflag:$0x2], $0x2600, $0x38;
	[tilespmem:$0xA080] =	vst v63  }
.Ltmp0:
0x46: {  	_ = 	snop;
	(pc) =	sbr.rel @!p0 .LBB2_2-.Ltmp0, $4  }
0x47: {  	s19 =	sadd.s32 $0xF00, s16  }
0x48: {  	[hbm4b:s19+s2] =	stream.linear.scatter [tilespmem:s9], [sflag:$0x2], $0x2600, $0x38;
	[tilespmem:$0xA080] =	vst v63  }
0x49: {  	_ =	swait.ge [sflag:s3], $0x9800  }
0x4a: {  	s20 =	sadd.s32 $0xFFFFFFFF, s20;
	[sflag:s3] =	ssyncset.done $0x0  }
.LBB2_1:
0x4b: {  	p0 =	sne.s32 s20, $0x1;
	s20 =	sadd.s32 $0xFFFFFFFF, s20;
	[sflag:s3] =	ssyncadd.s32 $0xFFFF6800  }
0x4c: {  	_ = 	snop  }
0x4d: {  	[tilespmem:s2], [sflag:$0x2] =	stream.linear.gather [hbm4b:s4+s2], $0x80, $0x38;
	[tilespmem:$0xA080] =	vst v63  }
0x4e: {  	_ =	swait.ge [sflag:s3], $0x80  }
0x4f: {  	[sflag:s3] =	ssyncset.done $0x0  }
0x50: {  	[sflag:s3] =	ssyncadd.s32 $0xFFFFFF80  }
0x51: {  	v0 =	vld.msk [tilespmem:$0x0], $0xf;
	_ =	sdelay $0x4  }
0x52: {  	v0 =	vmul.u32 $0x2800, v0;
	_ =	sdelay $0x1  }
0x53: {  	v0 =	vshrl.u32 v0, $0x3  }
0x54: {  	v0 =	vadd.s32 s5, v0  }
0x55: {  	(v2sf) =	vpush v0, $0x0;
	_ =	sdelay $0x1  }
0x56: {  	(v2sf) =	vpush v0, $0x1;
	_ =	sdelay $0x1  }
0x57: {  	(v2sf) =	vpush v0, $0x2;
	_ =	sdelay $0x1  }
0x58: {  	(v2sf) =	vpush v0, $0x3;
	_ =	sdelay $0x8  }
0x59: {  	s21 =	spop (v2sf)  }
0x5a: {  	[tilespmem:s6], [sflag:$0x1] =	stream.linear.gather [hbm4b:s21+s2], $0x2600, $0x38;
	[tilespmem:$0xA080] =	vst v63  }
0x5b: {  	s21 =	spop (v2sf)  }
0x5c: {  	[tilespmem:s7], [sflag:$0x1] =	stream.linear.gather [hbm4b:s21+s2], $0x2600, $0x38;
	[tilespmem:$0xA080] =	vst v63  }
0x5d: {  	s21 =	spop (v2sf)  }
0x5e: {  	[tilespmem:s8], [sflag:$0x1] =	stream.linear.gather [hbm4b:s21+s2], $0x2600, $0x38;
	[tilespmem:$0xA080] =	vst v63  }
0x5f: {  	s21 =	spop (v2sf)  }
0x60: {  	[tilespmem:s9], [sflag:$0x1] =	stream.linear.gather [hbm4b:s21+s2], $0x2600, $0x38;
	[tilespmem:$0xA080] =	vst v63  }
0x61: {  	_ =	swait.ge [sflag:s10], $0x9800  }
0x62: {  	[sflag:s10] =	ssyncset.done $0x0  }
0x63: {  	[sflag:s10] =	ssyncadd.s32 $0xFFFF6800  }
0x64: {  	[hbm4b:s11+s2] =	stream.linear.scatter [tilespmem:s6], [sflag:$0x2], $0x2600, $0x38;
	[tilespmem:$0xA080] =	vst v63  }
0x65: {  	_ = 	snop  }
0x66: {  	[hbm4b:s12+s2] =	stream.linear.scatter [tilespmem:s7], [sflag:$0x2], $0x2600, $0x38;
	[tilespmem:$0xA080] =	vst v63  }
0x67: {  	_ = 	snop  }
0x68: {  	[hbm4b:s13+s2] =	stream.linear.scatter [tilespmem:s8], [sflag:$0x2], $0x2600, $0x38;
	[tilespmem:$0xA080] =	vst v63  }
0x69: {  	_ = 	snop  }
0x6a: {  	[hbm4b:s14+s2] =	stream.linear.scatter [tilespmem:s9], [sflag:$0x2], $0x2600, $0x38;
	[tilespmem:$0xA080] =	vst v63  }
0x6b: {  	_ =	swait.ge [sflag:s3], $0x9800  }
0x6c: {  	[sflag:s3] =	ssyncset.done $0x0  }
0x6d: {  	[sflag:s3] =	ssyncadd.s32 $0xFFFF6800  }
0x6e: {  	[tilespmem:s2], [sflag:$0x2] =	stream.linear.gather [hbm4b:s15+s2], $0x80, $0x38;
	[tilespmem:$0xA080] =	vst v63  }
0x6f: {  	_ =	swait.ge [sflag:s3], $0x80  }
0x70: {  	[sflag:s3] =	ssyncset.done $0x0  }
0x71: {  	[sflag:s3] =	ssyncadd.s32 $0xFFFFFF80  }
0x72: {  	v0 =	vld.msk [tilespmem:$0x0], $0xf;
	_ =	sdelay $0x4  }
0x73: {  	v0 =	vmul.u32 $0x2800, v0;
	_ =	sdelay $0x1  }
0x74: {  	v0 =	vshrl.u32 v0, $0x3  }
0x75: {  	v0 =	vadd.s32 s5, v0  }
0x76: {  	(v2sf) =	vpush v0, $0x0;
	_ =	sdelay $0x1  }
0x77: {  	(v2sf) =	vpush v0, $0x1;
	_ =	sdelay $0x1  }
0x78: {  	(v2sf) =	vpush v0, $0x2;
	_ =	sdelay $0x1  }
0x79: {  	(v2sf) =	vpush v0, $0x3;
	_ =	sdelay $0x8  }
0x7a: {  	s21 =	spop (v2sf)  }
0x7b: {  	[tilespmem:s6], [sflag:$0x1] =	stream.linear.gather [hbm4b:s21+s2], $0x2600, $0x38;
	[tilespmem:$0xA080] =	vst v63  }
0x7c: {  	s21 =	spop (v2sf)  }
0x7d: {  	[tilespmem:s7], [sflag:$0x1] =	stream.linear.gather [hbm4b:s21+s2], $0x2600, $0x38;
	[tilespmem:$0xA080] =	vst v63  }
0x7e: {  	s21 =	spop (v2sf)  }
0x7f: {  	[tilespmem:s8], [sflag:$0x1] =	stream.linear.gather [hbm4b:s21+s2], $0x2600, $0x38;
	[tilespmem:$0xA080] =	vst v63  }
0x80: {  	s21 =	spop (v2sf)  }
0x81: {  	[tilespmem:s9], [sflag:$0x1] =	stream.linear.gather [hbm4b:s21+s2], $0x2600, $0x38;
	[tilespmem:$0xA080] =	vst v63  }
0x82: {  	_ =	swait.ge [sflag:s10], $0x9800  }
0x83: {  	[sflag:s10] =	ssyncset.done $0x0  }
0x84: {  	[sflag:s10] =	ssyncadd.s32 $0xFFFF6800  }
0x85: {  	[hbm4b:s16+s2] =	stream.linear.scatter [tilespmem:s6], [sflag:$0x2], $0x2600, $0x38;
	[tilespmem:$0xA080] =	vst v63  }
0x86: {  	_ = 	snop  }
0x87: {  	[hbm4b:s17+s2] =	stream.linear.scatter [tilespmem:s7], [sflag:$0x2], $0x2600, $0x38;
	[tilespmem:$0xA080] =	vst v63  }
0x88: {  	_ = 	snop  }
0x89: {  	[hbm4b:s18+s2] =	stream.linear.scatter [tilespmem:s8], [sflag:$0x2], $0x2600, $0x38;
	[tilespmem:$0xA080] =	vst v63  }
.Ltmp1:
0x8a: {  	_ = 	snop;
	(pc) =	sbr.rel @p0 .LBB2_1-.Ltmp1, $4  }
0x8b: {  	_ = 	snop  }
0x8c: {  	[hbm4b:s19+s2] =	stream.linear.scatter [tilespmem:s9], [sflag:$0x2], $0x2600, $0x38;
	[tilespmem:$0xA080] =	vst v63  }
0x8d: {  	_ =	swait.ge [sflag:s3], $0x9800  }
0x8e: {  	[sflag:s3] =	ssyncset.done $0x0  }
.LBB2_2:
0x8f: {  	[sflag:s3] =	ssyncadd.s32 $0xFFFF6800  }
0x90: {  	_ =	sfence.sel $0x180000  }
0x91: {  	[bflag:$0x0] =	sbarrier.arrive $0xFFFF  }
0x92: {  	p0 =	sne.s32 s0, $0x0;
	_ =	strace $0x90000047  }
0x93: {  	s0 =	sadd.s32 @!p0 $0x100000, s1;
	[bflag:$0x2] =	sbarrier.arrive $0xFFFF  }
0x94: {  	[sflag:s0] =	ssyncadd.tile.s32 @!p0 $0x1;
	_ =	shalt  }
.Lfunc_end2:
_tile_overlayer_lowered:
.L_overlay_start_2:
0x95: {  	(tag) =	ssettag $0x2  }
0x96: {  	s0 =	rddreg [dreg:$0x0];
	s2 =	stileid.u32  }
0x97: {  	s1 =	rddreg [dreg:$0x1];
	p0 =	sne.s32 s2, $0x0  }
0x98: {  	s3 =	rddreg [dreg:$0x2];
	[bflag:$0x3] =	sbarrier.arrive $0xFFFF;
	s2 =	simm.s32 @!p0 $0x1C02  }
0x99: {  	[timem:s3], [sflag:s2] =	dma.local @!p0 [hbm:s0], s1  }
0x9a: {  	s0 =	simm.s32 @!p0 $0x2  }
0x9b: {  	_ =	swait.ge @!p0 [sflag:s0], s1  }
0x9c: {  	s1 =	ssub.s32 @!p0 $0x0, s1;
	[sflag:s0] =	ssyncset.done @!p0 $0x0  }
0x9d: {  	[sflag:s0] =	ssyncadd.s32 @!p0 s1  }
0x9e: {  	[bflag:$0x3] =	sbarrier.arrive $0xFFFF  }
0x9f: {  	_ =	shalt  }

</sc_bundles>
